<compile_context>
chip_gen: v7x
topology: tpu7x:2x2x1
jax: 0.10.2.dev20260603
libtpu: 0.0.44.dev20260713+nightly
codegen_flags: <defaults>
</compile_context>

<pallas_src>
import functools

import jax
import jax.numpy as jnp
from jax import lax
from jax.experimental import pallas as pl
from jax.experimental.pallas import tpu as pltpu
from jax.experimental.pallas import tpu_sc as plsc

N = 10000
NP = 10240
HALF = NP // 2
TRASH = HALF
ACC_R = HALF + 8
E = 320000
D_IN = 128
D_HID = 256
D_OUT = 64
NC = 2
NS = 16
CHUNK = 128
LROWS = HALF // NS
NCH = 160
EP = NS * NCH * CHUNK


def _mesh():
    return plsc.VectorSubcoreMesh(core_axis_name="c", subcore_axis_name="s")


def _scatter_body(n_pass, hs_hbm, src_hbm, dst_hbm, out_hbm, src_v, dst_v, buf,
                  acc, sg0, sg1, ss0, ss1):
    sg = (sg0, sg1)
    ss = (ss0, ss1)
    c = lax.axis_index("c")
    s = lax.axis_index("s")
    r0 = s * LROWS
    pltpu.sync_copy(dst_hbm.at[c * NS + s], dst_v)

    def gather(jj, b):
        pltpu.async_copy(hs_hbm.at[src_v.at[jj]], buf.at[b], sg[b])

    def wait_gather(b):
        pltpu.make_async_copy(hs_hbm.at[src_v.at[0]], buf.at[b], sg[b]).wait()

    def scatter(jj, b):
        pltpu.async_copy(buf.at[b], acc.at[dst_v.at[jj]], ss[b], add=True)

    def wait_scatter(b):
        pltpu.make_async_copy(buf.at[b], acc.at[dst_v.at[0]], ss[b]).wait()

    for p in range(n_pass):
        pltpu.sync_copy(hs_hbm.at[pl.ds(p * NP + c * HALF + r0, LROWS)],
                        acc.at[pl.ds(r0, LROWS)])
        pltpu.sync_copy(src_hbm.at[p * NS + s], src_v)
        plsc.subcore_barrier()

        gather(0, 0)

        @pl.loop(0, NCH, step=2)
        def _(j):
            for b in range(2):
                jj = j + b

                @pl.when(jj + 1 < NCH)
                def _():
                    @pl.when(jj >= 1)
                    def _():
                        wait_scatter(1 - b)

                    gather(jj + 1, 1 - b)

                wait_gather(b)
                scatter(jj, b)

        for b in ((NCH - 2) % 2, (NCH - 1) % 2):
            wait_scatter(b)

        plsc.subcore_barrier()
        pltpu.sync_copy(acc.at[pl.ds(r0, LROWS)],
                        out_hbm.at[p * NC + c, pl.ds(r0, LROWS)])
        if p + 1 < n_pass:
            plsc.subcore_barrier()


def _scatter_call(hs, srcs, dsts, n_pass):
    return pl.kernel(
        functools.partial(_scatter_body, n_pass),
        out_type=jax.ShapeDtypeStruct((n_pass * NC, HALF, 128), jnp.float32),
        mesh=_mesh(),
        compiler_params=pltpu.CompilerParams(use_tc_tiling_on_sc=False),
        scratch_types=[
            pltpu.VMEM((NCH, CHUNK), jnp.int32),
            pltpu.VMEM((NCH, CHUNK), jnp.int32),
            pltpu.VMEM((2, CHUNK, 128), jnp.float32),
            pltpu.VMEM_SHARED((ACC_R, 128), jnp.float32),
        ] + [pltpu.SemaphoreType.DMA] * 4,
    )(hs, srcs, dsts)


def _tc1_body(x_ref, wa_ref, wb_ref, deg_ref, hs_ref, dinv_ref):
    deg = jnp.concatenate([deg_ref[0], deg_ref[1, pl.ds(0, N - HALF)]],
                          axis=0)[:, 0:1]
    dinv = lax.rsqrt(deg)
    dinv_ref[...] = dinv
    x = x_ref[...]
    zpad = jnp.zeros((NP - N, 128), jnp.float32)
    for q, w_ref in enumerate((wa_ref, wb_ref)):
        hq = jnp.dot(x, w_ref[...], preferred_element_type=jnp.float32) * dinv
        hs_ref[pl.ds(q * NP, N), :] = hq
        hs_ref[pl.ds(q * NP + N, NP - N), :] = zpad


def _tc2_body(s1_ref, dinv_ref, b1_ref, w2_ref, emb_ref, hs2_ref):
    dinv = dinv_ref[...]
    top = jnp.concatenate([s1_ref[0], s1_ref[2]], axis=1)
    bot = jnp.concatenate([s1_ref[1, pl.ds(0, N - HALF)],
                           s1_ref[3, pl.ds(0, N - HALF)]], axis=1)
    s1 = jnp.concatenate([top, bot], axis=0)
    emb = jnp.maximum(s1 * dinv + b1_ref[...], 0.0)
    emb_ref[...] = emb
    h2 = jnp.dot(emb, w2_ref[...], preferred_element_type=jnp.float32) * dinv
    hs2_ref[pl.ds(0, N), :] = jnp.concatenate(
        [h2, jnp.zeros((N, 128 - D_OUT), jnp.float32)], axis=1)
    hs2_ref[pl.ds(N, NP - N), :] = jnp.zeros((NP - N, 128), jnp.float32)


def _tc3_body(s2_ref, dinv_ref, b2_ref, out_ref):
    s2 = jnp.concatenate([s2_ref[0], s2_ref[1, pl.ds(0, N - HALF)]],
                         axis=0)[:, 0:D_OUT]
    out_ref[...] = s2 * dinv_ref[...] + b2_ref[...]


def kernel(x, edge_index, W1, b1, W2, b2):
    pad = jnp.full((EP - E,), N, jnp.int32)
    src = jnp.concatenate([edge_index[0].astype(jnp.int32), pad])
    dst = jnp.concatenate([edge_index[1].astype(jnp.int32), pad])

    offs = (jnp.arange(2, dtype=jnp.int32) * NP).reshape(2, 1, 1, 1)
    srcs = (src.reshape(1, NS, NCH, CHUNK) + offs).reshape(2 * NS, NCH, CHUNK)
    dstl = []
    for c in range(NC):
        local = dst - c * HALF
        dstl.append(jnp.where((local >= 0) & (local < HALF), local, TRASH))
    dsts = jnp.stack(dstl).reshape(NC * NS, NCH, CHUNK)
    ones_np = jnp.concatenate([jnp.ones((N, 128), jnp.float32),
                               jnp.zeros((NP - N, 128), jnp.float32)])
    deg = _scatter_call(ones_np, srcs[:NS], dsts, 1)

    hs1, dinv = pl.pallas_call(
        _tc1_body,
        out_shape=(jax.ShapeDtypeStruct((2 * NP, 128), jnp.float32),
                   jax.ShapeDtypeStruct((N, 1), jnp.float32)),
    )(x, W1[:, 0:128], W1[:, 128:256], deg)

    s1 = _scatter_call(hs1, srcs, dsts, 2)

    emb, hs2 = pl.pallas_call(
        _tc2_body,
        out_shape=(jax.ShapeDtypeStruct((N, D_HID), jnp.float32),
                   jax.ShapeDtypeStruct((NP, 128), jnp.float32)),
    )(s1, dinv, b1.reshape(1, -1), W2)

    s2 = _scatter_call(hs2, srcs[:NS], dsts, 1)

    out = pl.pallas_call(
        _tc3_body,
        out_shape=jax.ShapeDtypeStruct((N, D_OUT), jnp.float32),
    )(s2, dinv, b2.reshape(1, -1))

    return (out, emb)

# --- scband reference (transcript-rebuilt; emitter-appended) ---
"""Pipeline reference for scband-gcn-5686536700075 (READ-ONLY COPY).

The authoritative reference and input builder live on the scoring server;
editing this copy changes nothing except your own understanding.
"""

import jax, jax.numpy as jnp
import numpy as np

N_NODES = 10000
N_EDGES = 320000
D_IN = 128
D_HID = 256
D_OUT = 64


def setup_inputs(seed: int = 0) -> dict:
    key = jax.random.key(seed)
    k1, k2, k3, k4, k5, k6, k7 = jax.random.split(key, 7)
    x = jax.random.normal(k1, (N_NODES, D_IN), dtype=jnp.float32)
    edge_index = jax.random.randint(k2, (2, N_EDGES), 0, N_NODES, dtype=jnp.int64)
    # GCNConv layer 1 params (glorot-style scale)
    W1 = jax.random.normal(k3, (D_IN, D_HID), dtype=jnp.float32) * (1.0 / np.sqrt(D_IN))
    b1 = jnp.zeros((D_HID,), dtype=jnp.float32)
    # GCNConv layer 2 params
    W2 = jax.random.normal(k4, (D_HID, D_OUT), dtype=jnp.float32) * (1.0 / np.sqrt(D_HID))
    b2 = jnp.zeros((D_OUT,), dtype=jnp.float32)
    return {"x": x, "edge_index": edge_index, "W1": W1, "b1": b1, "W2": W2, "b2": b2}


def _gcn_conv(x, W, b, src, dst, n_nodes):
    # PyG GCNConv: linear transform, add self-loops, sym-normalize, scatter-add, bias
    h = x @ W
    loop = jnp.arange(n_nodes, dtype=src.dtype)
    src2 = jnp.concatenate([src, loop])
    dst2 = jnp.concatenate([dst, loop])
    deg = jnp.zeros((n_nodes,), dtype=h.dtype).at[dst2].add(1.0)
    deg_inv_sqrt = jnp.where(deg > 0, jax.lax.rsqrt(deg), 0.0)
    norm = deg_inv_sqrt[src2] * deg_inv_sqrt[dst2]
    msgs = h[src2] * norm[:, None]
    out = jnp.zeros((n_nodes, h.shape[1]), dtype=h.dtype).at[dst2].add(msgs)
    return out + b


def reference(x, edge_index, W1, b1, W2, b2):
    src = edge_index[0]
    dst = edge_index[1]
    h = _gcn_conv(x, W1, b1, src, dst, N_NODES)
    h = jax.nn.relu(h)
    # dropout p=0.5 with training=self.training; eval mode -> identity
    embeddings = h
    out = _gcn_conv(h, W2, b2, src, dst, N_NODES)
    return (out, embeddings)

if __name__ == "__main__":
    import jax
    _d = setup_inputs()
    print(jax.jit(kernel)(*tuple(_d.values())))

</pallas_src>

<mosaic_0001>
#map = affine_map<(d0, d1) -> (0, 0)>
#map1 = affine_map<(d0, d1) -> (0, 0, 0)>
module attributes {stable_mosaic.version = 14 : i64} {
  func.func @_scatter_body(%arg0: i32, %arg1: i32, %arg2: memref<10240x128xf32, #tpu.memory_space<hbm>>, %arg3: memref<16x160x128xi32, #tpu.memory_space<hbm>>, %arg4: memref<32x160x128xi32, #tpu.memory_space<hbm>>, %arg5: memref<2x5120x128xf32, #tpu.memory_space<hbm>>, %arg6: memref<160x128xi32, #tpu.memory_space<vmem>>, %arg7: memref<160x128xi32, #tpu.memory_space<vmem>>, %arg8: memref<2x128x128xf32, #tpu.memory_space<vmem>>, %arg9: memref<5128x128xf32, #tpu.memory_space<vmem_shared>>, %arg10: memref<!tpu.dma_semaphore, #tpu.memory_space<semaphore_mem>>, %arg11: memref<!tpu.dma_semaphore, #tpu.memory_space<semaphore_mem>>, %arg12: memref<!tpu.dma_semaphore, #tpu.memory_space<semaphore_mem>>, %arg13: memref<!tpu.dma_semaphore, #tpu.memory_space<semaphore_mem>>) attributes {dimension_semantics = [#tpu.dimension_semantics<core_parallel>, #tpu.dimension_semantics<subcore_parallel>], iteration_bounds = array<i64: 2, 16>, scalar_prefetch = 0 : i64, scratch_operands = 8 : i64, tpu.core_type = #tpu.core_type<sc_vector_subcore>, window_params = [{transform_indices = #map}, {transform_indices = #map1}, {transform_indices = #map1}, {transform_indices = #map1}]} {
    %mul3A = arith.constant 320 : i32
    %mul3A_0 = arith.muli %arg1, %mul3A : i32
    %mul3A_1 = arith.constant 16 : i32
    %mul3A_2 = arith.muli %arg0, %mul3A_1 : i32
    %add3A = arith.addi %mul3A_2, %arg1 : i32
    "tpu.region"() ({
      %run_scoped3A = tpu.sem_alloc : memref<!tpu.dma_semaphore, #tpu.memory_space<semaphore_mem>>
      %dma_start3A_51 = arith.constant 0 : i32
      %dma_start3A_52 = arith.constant 0 : i32
      %dma_start3A_53 = tpu.memref_slice %arg4[%add3A, %dma_start3A_51, %dma_start3A_52] : memref<32x160x128xi32, #tpu.memory_space<hbm>> -> memref<1x160x128xi32, #tpu.memory_space<hbm>>
      %dma_start3A_54 = tpu.memref_squeeze %dma_start3A_53 : memref<1x160x128xi32, #tpu.memory_space<hbm>> -> memref<160x128xi32, #tpu.memory_space<hbm>>
      %dma_start3A_55 = arith.constant 0 : i32
      %dma_start3A_56 = arith.constant 0 : i32
      %dma_start3A_57 = tpu.memref_slice %arg4[%add3A, %dma_start3A_55, %dma_start3A_56] : memref<32x160x128xi32, #tpu.memory_space<hbm>> -> memref<1x160x128xi32, #tpu.memory_space<hbm>>
      %dma_start3A_58 = tpu.memref_squeeze %dma_start3A_57 : memref<1x160x128xi32, #tpu.memory_space<hbm>> -> memref<160x128xi32, #tpu.memory_space<hbm>>
      tpu.enqueue_dma source(%dma_start3A_58 : memref<160x128xi32, #tpu.memory_space<hbm>>) target(%arg7 : memref<160x128xi32, #tpu.memory_space<vmem>>) target_semaphore(%run_scoped3A : memref<!tpu.dma_semaphore, #tpu.memory_space<semaphore_mem>>)
      %dma_wait3A_59 = arith.constant 0 : i32
      %dma_wait3A_60 = arith.constant 0 : i32
      %dma_wait3A_61 = tpu.memref_slice %arg4[%add3A, %dma_wait3A_59, %dma_wait3A_60] : memref<32x160x128xi32, #tpu.memory_space<hbm>> -> memref<1x160x128xi32, #tpu.memory_space<hbm>>
      %dma_wait3A_62 = tpu.memref_squeeze %dma_wait3A_61 : memref<1x160x128xi32, #tpu.memory_space<hbm>> -> memref<160x128xi32, #tpu.memory_space<hbm>>
      %dma_wait3A_63 = arith.constant 0 : i32
      %dma_wait3A_64 = arith.constant 0 : i32
      %dma_wait3A_65 = tpu.memref_slice %arg4[%add3A, %dma_wait3A_63, %dma_wait3A_64] : memref<32x160x128xi32, #tpu.memory_space<hbm>> -> memref<1x160x128xi32, #tpu.memory_space<hbm>>
      %dma_wait3A_66 = tpu.memref_squeeze %dma_wait3A_65 : memref<1x160x128xi32, #tpu.memory_space<hbm>> -> memref<160x128xi32, #tpu.memory_space<hbm>>
      tpu.wait_dma2 semaphore(%run_scoped3A : memref<!tpu.dma_semaphore, #tpu.memory_space<semaphore_mem>>) src(%dma_wait3A_66 : memref<160x128xi32, #tpu.memory_space<hbm>>) dst(%arg7 : memref<160x128xi32, #tpu.memory_space<vmem>>)
      tpu.yield
    }) : () -> ()
    %mul3A_3 = arith.constant 5120 : i32
    %mul3A_4 = arith.muli %arg0, %mul3A_3 : i32
    %add3A_5 = arith.constant 0 : i32
    %add3A_6 = arith.addi %add3A_5, %mul3A_4 : i32
    %add3A_7 = arith.addi %add3A_6, %mul3A_0 : i32
    "tpu.region"() ({
      %run_scoped3A = tpu.sem_alloc : memref<!tpu.dma_semaphore, #tpu.memory_space<semaphore_mem>>
      %dma_start3A_51 = arith.constant 0 : i32
      %dma_start3A_52 = tpu.memref_slice %arg9[%mul3A_0, %dma_start3A_51] : memref<5128x128xf32, #tpu.memory_space<vmem_shared>> -> memref<320x128xf32, #tpu.memory_space<vmem_shared>>
      %dma_start3A_53 = arith.constant 0 : i32
      %dma_start3A_54 = tpu.memref_slice %arg2[%add3A_7, %dma_start3A_53] : memref<10240x128xf32, #tpu.memory_space<hbm>> -> memref<320x128xf32, #tpu.memory_space<hbm>>
      tpu.enqueue_dma source(%dma_start3A_54 : memref<320x128xf32, #tpu.memory_space<hbm>>) target(%dma_start3A_52 : memref<320x128xf32, #tpu.memory_space<vmem_shared>>) target_semaphore(%run_scoped3A : memref<!tpu.dma_semaphore, #tpu.memory_space<semaphore_mem>>)
      %dma_wait3A_55 = arith.constant 0 : i32
      %dma_wait3A_56 = tpu.memref_slice %arg9[%mul3A_0, %dma_wait3A_55] : memref<5128x128xf32, #tpu.memory_space<vmem_shared>> -> memref<320x128xf32, #tpu.memory_space<vmem_shared>>
      %dma_wait3A_57 = arith.constant 0 : i32
      %dma_wait3A_58 = tpu.memref_slice %arg2[%add3A_7, %dma_wait3A_57] : memref<10240x128xf32, #tpu.memory_space<hbm>> -> memref<320x128xf32, #tpu.memory_space<hbm>>
      tpu.wait_dma2 semaphore(%run_scoped3A : memref<!tpu.dma_semaphore, #tpu.memory_space<semaphore_mem>>) src(%dma_wait3A_58 : memref<320x128xf32, #tpu.memory_space<hbm>>) dst(%dma_wait3A_56 : memref<320x128xf32, #tpu.memory_space<vmem_shared>>)
      tpu.yield
    }) : () -> ()
    %add3A_8 = arith.constant 0 : i32
    %add3A_9 = arith.addi %add3A_8, %arg1 : i32
    "tpu.region"() ({
      %run_scoped3A = tpu.sem_alloc : memref<!tpu.dma_semaphore, #tpu.memory_space<semaphore_mem>>
      %dma_start3A_51 = arith.constant 0 : i32
      %dma_start3A_52 = arith.constant 0 : i32
      %dma_start3A_53 = tpu.memref_slice %arg3[%add3A_9, %dma_start3A_51, %dma_start3A_52] : memref<16x160x128xi32, #tpu.memory_space<hbm>> -> memref<1x160x128xi32, #tpu.memory_space<hbm>>
      %dma_start3A_54 = tpu.memref_squeeze %dma_start3A_53 : memref<1x160x128xi32, #tpu.memory_space<hbm>> -> memref<160x128xi32, #tpu.memory_space<hbm>>
      %dma_start3A_55 = arith.constant 0 : i32
      %dma_start3A_56 = arith.constant 0 : i32
      %dma_start3A_57 = tpu.memref_slice %arg3[%add3A_9, %dma_start3A_55, %dma_start3A_56] : memref<16x160x128xi32, #tpu.memory_space<hbm>> -> memref<1x160x128xi32, #tpu.memory_space<hbm>>
      %dma_start3A_58 = tpu.memref_squeeze %dma_start3A_57 : memref<1x160x128xi32, #tpu.memory_space<hbm>> -> memref<160x128xi32, #tpu.memory_space<hbm>>
      tpu.enqueue_dma source(%dma_start3A_58 : memref<160x128xi32, #tpu.memory_space<hbm>>) target(%arg6 : memref<160x128xi32, #tpu.memory_space<vmem>>) target_semaphore(%run_scoped3A : memref<!tpu.dma_semaphore, #tpu.memory_space<semaphore_mem>>)
      %dma_wait3A_59 = arith.constant 0 : i32
      %dma_wait3A_60 = arith.constant 0 : i32
      %dma_wait3A_61 = tpu.memref_slice %arg3[%add3A_9, %dma_wait3A_59, %dma_wait3A_60] : memref<16x160x128xi32, #tpu.memory_space<hbm>> -> memref<1x160x128xi32, #tpu.memory_space<hbm>>
      %dma_wait3A_62 = tpu.memref_squeeze %dma_wait3A_61 : memref<1x160x128xi32, #tpu.memory_space<hbm>> -> memref<160x128xi32, #tpu.memory_space<hbm>>
      %dma_wait3A_63 = arith.constant 0 : i32
      %dma_wait3A_64 = arith.constant 0 : i32
      %dma_wait3A_65 = tpu.memref_slice %arg3[%add3A_9, %dma_wait3A_63, %dma_wait3A_64] : memref<16x160x128xi32, #tpu.memory_space<hbm>> -> memref<1x160x128xi32, #tpu.memory_space<hbm>>
      %dma_wait3A_66 = tpu.memref_squeeze %dma_wait3A_65 : memref<1x160x128xi32, #tpu.memory_space<hbm>> -> memref<160x128xi32, #tpu.memory_space<hbm>>
      tpu.wait_dma2 semaphore(%run_scoped3A : memref<!tpu.dma_semaphore, #tpu.memory_space<semaphore_mem>>) src(%dma_wait3A_66 : memref<160x128xi32, #tpu.memory_space<hbm>>) dst(%arg6 : memref<160x128xi32, #tpu.memory_space<vmem>>)
      tpu.yield
    }) : () -> ()
    %barrier3A = arith.constant 0 : index
    tpu.barrier barrier_id(%barrier3A)
    %dma_start3A = arith.constant 0 : i32
    %dma_start3A_10 = arith.constant 0 : i32
    %dma_start3A_11 = arith.constant 0 : i32
    %dma_start3A_12 = arith.constant 0 : i32
    %dma_start3A_13 = tpu.memref_slice %arg8[%dma_start3A_10, %dma_start3A_11, %dma_start3A_12] : memref<2x128x128xf32, #tpu.memory_space<vmem>> -> memref<1x128x128xf32, #tpu.memory_space<vmem>>
    %dma_start3A_14 = tpu.memref_squeeze %dma_start3A_13 : memref<1x128x128xf32, #tpu.memory_space<vmem>> -> memref<128x128xf32, #tpu.memory_space<vmem>>
    %dma_start3A_15 = arith.constant 0 : i32
    %dma_start3A_16 = tpu.memref_slice %arg6[%dma_start3A, %dma_start3A_15] : memref<160x128xi32, #tpu.memory_space<vmem>> -> memref<1x128xi32, #tpu.memory_space<vmem>>
    %dma_start3A_17 = tpu.memref_squeeze %dma_start3A_16 : memref<1x128xi32, #tpu.memory_space<vmem>> -> memref<128xi32, #tpu.memory_space<vmem>>
    %dma_start3A_18 = arith.constant 0 : i32
    %dma_start3A_19 = arith.constant 0 : i32
    %dma_start3A_20 = tpu.memref_slice %arg2[%dma_start3A_18, %dma_start3A_19] : memref<10240x128xf32, #tpu.memory_space<hbm>> -> memref<10240x128xf32, #tpu.memory_space<hbm>>
    tpu.enqueue_indirect_dma source(%dma_start3A_20 : memref<10240x128xf32, #tpu.memory_space<hbm>>) target(%dma_start3A_14 : memref<128x128xf32, #tpu.memory_space<vmem>>) offsets(%dma_start3A_17 : memref<128xi32, #tpu.memory_space<vmem>>) semaphore(%arg10 : memref<!tpu.dma_semaphore, #tpu.memory_space<semaphore_mem>>)
    %scan3A = arith.constant 0 : i32
    %scan3A_21 = arith.constant 80 : i32
    %scan3A_22 = arith.addi %scan3A, %scan3A_21 : i32
    %scan3A_23 = arith.constant 1 : i32
    scf.for %scan3A_51 = %scan3A to %scan3A_22 step %scan3A_23  : i32 {
      %mul3A_52 = arith.constant 2 : i32
      %mul3A_53 = arith.muli %scan3A_51, %mul3A_52 : i32
      %add3A_54 = arith.constant 0 : i32
      %add3A_55 = arith.addi %add3A_54, %mul3A_53 : i32
      %add3A_56 = arith.constant 0 : i32
      %add3A_57 = arith.addi %add3A_55, %add3A_56 : i32
      %add3A_58 = arith.constant 1 : i32
      %add3A_59 = arith.addi %add3A_57, %add3A_58 : i32
      %lt3A = arith.constant 160 : i32
      %lt3A_60 = arith.cmpi slt, %add3A_59, %lt3A : i32
      %convert_element_type3A = arith.extui %lt3A_60 : i1 to i32
      %cond3A = arith.constant 0 : i32
      %cond3A_61 = arith.cmpi ne, %convert_element_type3A, %cond3A : i32
      scf.if %cond3A_61 {
        %ge3A = arith.constant 1 : i32
        %ge3A_117 = arith.cmpi sge, %add3A_57, %ge3A : i32
        %convert_element_type3A_118 = arith.extui %ge3A_117 : i1 to i32
        %cond3A_119 = arith.constant 0 : i32
        %cond3A_120 = arith.cmpi ne, %convert_element_type3A_118, %cond3A_119 : i32
        scf.if %cond3A_120 {
          %dma_wait3A_134 = arith.constant 1 : i32
          %dma_wait3A_135 = arith.constant 0 : i32
          %dma_wait3A_136 = arith.constant 0 : i32
          %dma_wait3A_137 = arith.constant 0 : i32
          %dma_wait3A_138 = tpu.memref_slice %arg8[%dma_wait3A_134, %dma_wait3A_136, %dma_wait3A_137] : memref<2x128x128xf32, #tpu.memory_space<vmem>> -> memref<1x128x128xf32, #tpu.memory_space<vmem>>
          %dma_wait3A_139 = tpu.memref_squeeze %dma_wait3A_138 : memref<1x128x128xf32, #tpu.memory_space<vmem>> -> memref<128x128xf32, #tpu.memory_space<vmem>>
          %dma_wait3A_140 = arith.constant 0 : i32
          %dma_wait3A_141 = tpu.memref_slice %arg7[%dma_wait3A_135, %dma_wait3A_140] : memref<160x128xi32, #tpu.memory_space<vmem>> -> memref<1x128xi32, #tpu.memory_space<vmem>>
          %dma_wait3A_142 = tpu.memref_squeeze %dma_wait3A_141 : memref<1x128xi32, #tpu.memory_space<vmem>> -> memref<128xi32, #tpu.memory_space<vmem>>
          %dma_wait3A_143 = arith.constant 0 : i32
          %dma_wait3A_144 = arith.constant 0 : i32
          %dma_wait3A_145 = tpu.memref_slice %arg9[%dma_wait3A_143, %dma_wait3A_144] : memref<5128x128xf32, #tpu.memory_space<vmem_shared>> -> memref<5128x128xf32, #tpu.memory_space<vmem_shared>>
          tpu.wait_indirect_dma semaphore(%arg13 : memref<!tpu.dma_semaphore, #tpu.memory_space<semaphore_mem>>) src(%dma_wait3A_139 : memref<128x128xf32, #tpu.memory_space<vmem>>) dst(%dma_wait3A_145 : memref<5128x128xf32, #tpu.memory_space<vmem_shared>>)
        } else {
        }
        %add3A_121 = arith.constant 1 : i32
        %add3A_122 = arith.addi %add3A_57, %add3A_121 : i32
        %dma_start3A_123 = arith.constant 1 : i32
        %dma_start3A_124 = arith.constant 0 : i32
        %dma_start3A_125 = arith.constant 0 : i32
        %dma_start3A_126 = tpu.memref_slice %arg8[%dma_start3A_123, %dma_start3A_124, %dma_start3A_125] : memref<2x128x128xf32, #tpu.memory_space<vmem>> -> memref<1x128x128xf32, #tpu.memory_space<vmem>>
        %dma_start3A_127 = tpu.memref_squeeze %dma_start3A_126 : memref<1x128x128xf32, #tpu.memory_space<vmem>> -> memref<128x128xf32, #tpu.memory_space<vmem>>
        %dma_start3A_128 = arith.constant 0 : i32
        %dma_start3A_129 = tpu.memref_slice %arg6[%add3A_122, %dma_start3A_128] : memref<160x128xi32, #tpu.memory_space<vmem>> -> memref<1x128xi32, #tpu.memory_space<vmem>>
        %dma_start3A_130 = tpu.memref_squeeze %dma_start3A_129 : memref<1x128xi32, #tpu.memory_space<vmem>> -> memref<128xi32, #tpu.memory_space<vmem>>
        %dma_start3A_131 = arith.constant 0 : i32
        %dma_start3A_132 = arith.constant 0 : i32
        %dma_start3A_133 = tpu.memref_slice %arg2[%dma_start3A_131, %dma_start3A_132] : memref<10240x128xf32, #tpu.memory_space<hbm>> -> memref<10240x128xf32, #tpu.memory_space<hbm>>
        tpu.enqueue_indirect_dma source(%dma_start3A_133 : memref<10240x128xf32, #tpu.memory_space<hbm>>) target(%dma_start3A_127 : memref<128x128xf32, #tpu.memory_space<vmem>>) offsets(%dma_start3A_130 : memref<128xi32, #tpu.memory_space<vmem>>) semaphore(%arg11 : memref<!tpu.dma_semaphore, #tpu.memory_space<semaphore_mem>>)
      } else {
      }
      %dma_wait3A_62 = arith.constant 0 : i32
      %dma_wait3A_63 = arith.constant 0 : i32
      %dma_wait3A_64 = arith.constant 0 : i32
      %dma_wait3A_65 = arith.constant 0 : i32
      %dma_wait3A_66 = tpu.memref_slice %arg8[%dma_wait3A_63, %dma_wait3A_64, %dma_wait3A_65] : memref<2x128x128xf32, #tpu.memory_space<vmem>> -> memref<1x128x128xf32, #tpu.memory_space<vmem>>
      %dma_wait3A_67 = tpu.memref_squeeze %dma_wait3A_66 : memref<1x128x128xf32, #tpu.memory_space<vmem>> -> memref<128x128xf32, #tpu.memory_space<vmem>>
      %dma_wait3A_68 = arith.constant 0 : i32
      %dma_wait3A_69 = tpu.memref_slice %arg6[%dma_wait3A_62, %dma_wait3A_68] : memref<160x128xi32, #tpu.memory_space<vmem>> -> memref<1x128xi32, #tpu.memory_space<vmem>>
      %dma_wait3A_70 = tpu.memref_squeeze %dma_wait3A_69 : memref<1x128xi32, #tpu.memory_space<vmem>> -> memref<128xi32, #tpu.memory_space<vmem>>
      %dma_wait3A_71 = arith.constant 0 : i32
      %dma_wait3A_72 = arith.constant 0 : i32
      %dma_wait3A_73 = tpu.memref_slice %arg2[%dma_wait3A_71, %dma_wait3A_72] : memref<10240x128xf32, #tpu.memory_space<hbm>> -> memref<10240x128xf32, #tpu.memory_space<hbm>>
      tpu.wait_indirect_dma semaphore(%arg10 : memref<!tpu.dma_semaphore, #tpu.memory_space<semaphore_mem>>) src(%dma_wait3A_73 : memref<10240x128xf32, #tpu.memory_space<hbm>>) dst(%dma_wait3A_67 : memref<128x128xf32, #tpu.memory_space<vmem>>)
      %dma_start3A_74 = arith.constant 0 : i32
      %dma_start3A_75 = arith.constant 0 : i32
      %dma_start3A_76 = arith.constant 0 : i32
      %dma_start3A_77 = tpu.memref_slice %arg8[%dma_start3A_74, %dma_start3A_75, %dma_start3A_76] : memref<2x128x128xf32, #tpu.memory_space<vmem>> -> memref<1x128x128xf32, #tpu.memory_space<vmem>>
      %dma_start3A_78 = tpu.memref_squeeze %dma_start3A_77 : memref<1x128x128xf32, #tpu.memory_space<vmem>> -> memref<128x128xf32, #tpu.memory_space<vmem>>
      %dma_start3A_79 = arith.constant 0 : i32
      %dma_start3A_80 = tpu.memref_slice %arg7[%add3A_57, %dma_start3A_79] : memref<160x128xi32, #tpu.memory_space<vmem>> -> memref<1x128xi32, #tpu.memory_space<vmem>>
      %dma_start3A_81 = tpu.memref_squeeze %dma_start3A_80 : memref<1x128xi32, #tpu.memory_space<vmem>> -> memref<128xi32, #tpu.memory_space<vmem>>
      %dma_start3A_82 = arith.constant 0 : i32
      %dma_start3A_83 = arith.constant 0 : i32
      %dma_start3A_84 = tpu.memref_slice %arg9[%dma_start3A_82, %dma_start3A_83] : memref<5128x128xf32, #tpu.memory_space<vmem_shared>> -> memref<5128x128xf32, #tpu.memory_space<vmem_shared>>
      tpu.enqueue_indirect_dma source(%dma_start3A_78 : memref<128x128xf32, #tpu.memory_space<vmem>>) target(%dma_start3A_84 : memref<5128x128xf32, #tpu.memory_space<vmem_shared>>) offsets(%dma_start3A_81 : memref<128xi32, #tpu.memory_space<vmem>>) semaphore(%arg12 : memref<!tpu.dma_semaphore, #tpu.memory_space<semaphore_mem>>) {add = true}
      %add3A_85 = arith.constant 1 : i32
      %add3A_86 = arith.addi %add3A_55, %add3A_85 : i32
      %add3A_87 = arith.constant 1 : i32
      %add3A_88 = arith.addi %add3A_86, %add3A_87 : i32
      %lt3A_89 = arith.constant 160 : i32
      %lt3A_90 = arith.cmpi slt, %add3A_88, %lt3A_89 : i32
      %convert_element_type3A_91 = arith.extui %lt3A_90 : i1 to i32
      %cond3A_92 = arith.constant 0 : i32
      %cond3A_93 = arith.cmpi ne, %convert_element_type3A_91, %cond3A_92 : i32
      scf.if %cond3A_93 {
        %ge3A = arith.constant 1 : i32
        %ge3A_117 = arith.cmpi sge, %add3A_86, %ge3A : i32
        %convert_element_type3A_118 = arith.extui %ge3A_117 : i1 to i32
        %cond3A_119 = arith.constant 0 : i32
        %cond3A_120 = arith.cmpi ne, %convert_element_type3A_118, %cond3A_119 : i32
        scf.if %cond3A_120 {
          %dma_wait3A_134 = arith.constant 0 : i32
          %dma_wait3A_135 = arith.constant 0 : i32
          %dma_wait3A_136 = arith.constant 0 : i32
          %dma_wait3A_137 = arith.constant 0 : i32
          %dma_wait3A_138 = tpu.memref_slice %arg8[%dma_wait3A_134, %dma_wait3A_136, %dma_wait3A_137] : memref<2x128x128xf32, #tpu.memory_space<vmem>> -> memref<1x128x128xf32, #tpu.memory_space<vmem>>
          %dma_wait3A_139 = tpu.memref_squeeze %dma_wait3A_138 : memref<1x128x128xf32, #tpu.memory_space<vmem>> -> memref<128x128xf32, #tpu.memory_space<vmem>>
          %dma_wait3A_140 = arith.constant 0 : i32
          %dma_wait3A_141 = tpu.memref_slice %arg7[%dma_wait3A_135, %dma_wait3A_140] : memref<160x128xi32, #tpu.memory_space<vmem>> -> memref<1x128xi32, #tpu.memory_space<vmem>>
          %dma_wait3A_142 = tpu.memref_squeeze %dma_wait3A_141 : memref<1x128xi32, #tpu.memory_space<vmem>> -> memref<128xi32, #tpu.memory_space<vmem>>
          %dma_wait3A_143 = arith.constant 0 : i32
          %dma_wait3A_144 = arith.constant 0 : i32
          %dma_wait3A_145 = tpu.memref_slice %arg9[%dma_wait3A_143, %dma_wait3A_144] : memref<5128x128xf32, #tpu.memory_space<vmem_shared>> -> memref<5128x128xf32, #tpu.memory_space<vmem_shared>>
          tpu.wait_indirect_dma semaphore(%arg12 : memref<!tpu.dma_semaphore, #tpu.memory_space<semaphore_mem>>) src(%dma_wait3A_139 : memref<128x128xf32, #tpu.memory_space<vmem>>) dst(%dma_wait3A_145 : memref<5128x128xf32, #tpu.memory_space<vmem_shared>>)
        } else {
        }
        %add3A_121 = arith.constant 1 : i32
        %add3A_122 = arith.addi %add3A_86, %add3A_121 : i32
        %dma_start3A_123 = arith.constant 0 : i32
        %dma_start3A_124 = arith.constant 0 : i32
        %dma_start3A_125 = arith.constant 0 : i32
        %dma_start3A_126 = tpu.memref_slice %arg8[%dma_start3A_123, %dma_start3A_124, %dma_start3A_125] : memref<2x128x128xf32, #tpu.memory_space<vmem>> -> memref<1x128x128xf32, #tpu.memory_space<vmem>>
        %dma_start3A_127 = tpu.memref_squeeze %dma_start3A_126 : memref<1x128x128xf32, #tpu.memory_space<vmem>> -> memref<128x128xf32, #tpu.memory_space<vmem>>
        %dma_start3A_128 = arith.constant 0 : i32
        %dma_start3A_129 = tpu.memref_slice %arg6[%add3A_122, %dma_start3A_128] : memref<160x128xi32, #tpu.memory_space<vmem>> -> memref<1x128xi32, #tpu.memory_space<vmem>>
        %dma_start3A_130 = tpu.memref_squeeze %dma_start3A_129 : memref<1x128xi32, #tpu.memory_space<vmem>> -> memref<128xi32, #tpu.memory_space<vmem>>
        %dma_start3A_131 = arith.constant 0 : i32
        %dma_start3A_132 = arith.constant 0 : i32
        %dma_start3A_133 = tpu.memref_slice %arg2[%dma_start3A_131, %dma_start3A_132] : memref<10240x128xf32, #tpu.memory_space<hbm>> -> memref<10240x128xf32, #tpu.memory_space<hbm>>
        tpu.enqueue_indirect_dma source(%dma_start3A_133 : memref<10240x128xf32, #tpu.memory_space<hbm>>) target(%dma_start3A_127 : memref<128x128xf32, #tpu.memory_space<vmem>>) offsets(%dma_start3A_130 : memref<128xi32, #tpu.memory_space<vmem>>) semaphore(%arg10 : memref<!tpu.dma_semaphore, #tpu.memory_space<semaphore_mem>>)
      } else {
      }
      %dma_wait3A_94 = arith.constant 0 : i32
      %dma_wait3A_95 = arith.constant 1 : i32
      %dma_wait3A_96 = arith.constant 0 : i32
      %dma_wait3A_97 = arith.constant 0 : i32
      %dma_wait3A_98 = tpu.memref_slice %arg8[%dma_wait3A_95, %dma_wait3A_96, %dma_wait3A_97] : memref<2x128x128xf32, #tpu.memory_space<vmem>> -> memref<1x128x128xf32, #tpu.memory_space<vmem>>
      %dma_wait3A_99 = tpu.memref_squeeze %dma_wait3A_98 : memref<1x128x128xf32, #tpu.memory_space<vmem>> -> memref<128x128xf32, #tpu.memory_space<vmem>>
      %dma_wait3A_100 = arith.constant 0 : i32
      %dma_wait3A_101 = tpu.memref_slice %arg6[%dma_wait3A_94, %dma_wait3A_100] : memref<160x128xi32, #tpu.memory_space<vmem>> -> memref<1x128xi32, #tpu.memory_space<vmem>>
      %dma_wait3A_102 = tpu.memref_squeeze %dma_wait3A_101 : memref<1x128xi32, #tpu.memory_space<vmem>> -> memref<128xi32, #tpu.memory_space<vmem>>
      %dma_wait3A_103 = arith.constant 0 : i32
      %dma_wait3A_104 = arith.constant 0 : i32
      %dma_wait3A_105 = tpu.memref_slice %arg2[%dma_wait3A_103, %dma_wait3A_104] : memref<10240x128xf32, #tpu.memory_space<hbm>> -> memref<10240x128xf32, #tpu.memory_space<hbm>>
      tpu.wait_indirect_dma semaphore(%arg11 : memref<!tpu.dma_semaphore, #tpu.memory_space<semaphore_mem>>) src(%dma_wait3A_105 : memref<10240x128xf32, #tpu.memory_space<hbm>>) dst(%dma_wait3A_99 : memref<128x128xf32, #tpu.memory_space<vmem>>)
      %dma_start3A_106 = arith.constant 1 : i32
      %dma_start3A_107 = arith.constant 0 : i32
      %dma_start3A_108 = arith.constant 0 : i32
      %dma_start3A_109 = tpu.memref_slice %arg8[%dma_start3A_106, %dma_start3A_107, %dma_start3A_108] : memref<2x128x128xf32, #tpu.memory_space<vmem>> -> memref<1x128x128xf32, #tpu.memory_space<vmem>>
      %dma_start3A_110 = tpu.memref_squeeze %dma_start3A_109 : memref<1x128x128xf32, #tpu.memory_space<vmem>> -> memref<128x128xf32, #tpu.memory_space<vmem>>
      %dma_start3A_111 = arith.constant 0 : i32
      %dma_start3A_112 = tpu.memref_slice %arg7[%add3A_86, %dma_start3A_111] : memref<160x128xi32, #tpu.memory_space<vmem>> -> memref<1x128xi32, #tpu.memory_space<vmem>>
      %dma_start3A_113 = tpu.memref_squeeze %dma_start3A_112 : memref<1x128xi32, #tpu.memory_space<vmem>> -> memref<128xi32, #tpu.memory_space<vmem>>
      %dma_start3A_114 = arith.constant 0 : i32
      %dma_start3A_115 = arith.constant 0 : i32
      %dma_start3A_116 = tpu.memref_slice %arg9[%dma_start3A_114, %dma_start3A_115] : memref<5128x128xf32, #tpu.memory_space<vmem_shared>> -> memref<5128x128xf32, #tpu.memory_space<vmem_shared>>
      tpu.enqueue_indirect_dma source(%dma_start3A_110 : memref<128x128xf32, #tpu.memory_space<vmem>>) target(%dma_start3A_116 : memref<5128x128xf32, #tpu.memory_space<vmem_shared>>) offsets(%dma_start3A_113 : memref<128xi32, #tpu.memory_space<vmem>>) semaphore(%arg13 : memref<!tpu.dma_semaphore, #tpu.memory_space<semaphore_mem>>) {add = true}
    }
    %scan3A_24 = arith.constant 80 : i32
    %dma_wait3A = arith.constant 0 : i32
    %dma_wait3A_25 = arith.constant 0 : i32
    %dma_wait3A_26 = arith.constant 0 : i32
    %dma_wait3A_27 = arith.constant 0 : i32
    %dma_wait3A_28 = tpu.memref_slice %arg8[%dma_wait3A, %dma_wait3A_26, %dma_wait3A_27] : memref<2x128x128xf32, #tpu.memory_space<vmem>> -> memref<1x128x128xf32, #tpu.memory_space<vmem>>
    %dma_wait3A_29 = tpu.memref_squeeze %dma_wait3A_28 : memref<1x128x128xf32, #tpu.memory_space<vmem>> -> memref<128x128xf32, #tpu.memory_space<vmem>>
    %dma_wait3A_30 = arith.constant 0 : i32
    %dma_wait3A_31 = tpu.memref_slice %arg7[%dma_wait3A_25, %dma_wait3A_30] : memref<160x128xi32, #tpu.memory_space<vmem>> -> memref<1x128xi32, #tpu.memory_space<vmem>>
    %dma_wait3A_32 = tpu.memref_squeeze %dma_wait3A_31 : memref<1x128xi32, #tpu.memory_space<vmem>> -> memref<128xi32, #tpu.memory_space<vmem>>
    %dma_wait3A_33 = arith.constant 0 : i32
    %dma_wait3A_34 = arith.constant 0 : i32
    %dma_wait3A_35 = tpu.memref_slice %arg9[%dma_wait3A_33, %dma_wait3A_34] : memref<5128x128xf32, #tpu.memory_space<vmem_shared>> -> memref<5128x128xf32, #tpu.memory_space<vmem_shared>>
    tpu.wait_indirect_dma semaphore(%arg12 : memref<!tpu.dma_semaphore, #tpu.memory_space<semaphore_mem>>) src(%dma_wait3A_29 : memref<128x128xf32, #tpu.memory_space<vmem>>) dst(%dma_wait3A_35 : memref<5128x128xf32, #tpu.memory_space<vmem_shared>>)
    %dma_wait3A_36 = arith.constant 1 : i32
    %dma_wait3A_37 = arith.constant 0 : i32
    %dma_wait3A_38 = arith.constant 0 : i32
    %dma_wait3A_39 = arith.constant 0 : i32
    %dma_wait3A_40 = tpu.memref_slice %arg8[%dma_wait3A_36, %dma_wait3A_38, %dma_wait3A_39] : memref<2x128x128xf32, #tpu.memory_space<vmem>> -> memref<1x128x128xf32, #tpu.memory_space<vmem>>
    %dma_wait3A_41 = tpu.memref_squeeze %dma_wait3A_40 : memref<1x128x128xf32, #tpu.memory_space<vmem>> -> memref<128x128xf32, #tpu.memory_space<vmem>>
    %dma_wait3A_42 = arith.constant 0 : i32
    %dma_wait3A_43 = tpu.memref_slice %arg7[%dma_wait3A_37, %dma_wait3A_42] : memref<160x128xi32, #tpu.memory_space<vmem>> -> memref<1x128xi32, #tpu.memory_space<vmem>>
    %dma_wait3A_44 = tpu.memref_squeeze %dma_wait3A_43 : memref<1x128xi32, #tpu.memory_space<vmem>> -> memref<128xi32, #tpu.memory_space<vmem>>
    %dma_wait3A_45 = arith.constant 0 : i32
    %dma_wait3A_46 = arith.constant 0 : i32
    %dma_wait3A_47 = tpu.memref_slice %arg9[%dma_wait3A_45, %dma_wait3A_46] : memref<5128x128xf32, #tpu.memory_space<vmem_shared>> -> memref<5128x128xf32, #tpu.memory_space<vmem_shared>>
    tpu.wait_indirect_dma semaphore(%arg13 : memref<!tpu.dma_semaphore, #tpu.memory_space<semaphore_mem>>) src(%dma_wait3A_41 : memref<128x128xf32, #tpu.memory_space<vmem>>) dst(%dma_wait3A_47 : memref<5128x128xf32, #tpu.memory_space<vmem_shared>>)
    %barrier3A_48 = arith.constant 0 : index
    tpu.barrier barrier_id(%barrier3A_48)
    %add3A_49 = arith.constant 0 : i32
    %add3A_50 = arith.addi %add3A_49, %arg0 : i32
    "tpu.region"() ({
      %run_scoped3A = tpu.sem_alloc : memref<!tpu.dma_semaphore, #tpu.memory_space<semaphore_mem>>
      %dma_start3A_51 = arith.constant 0 : i32
      %dma_start3A_52 = tpu.memref_slice %arg5[%add3A_50, %mul3A_0, %dma_start3A_51] : memref<2x5120x128xf32, #tpu.memory_space<hbm>> -> memref<1x320x128xf32, #tpu.memory_space<hbm>>
      %dma_start3A_53 = tpu.memref_squeeze %dma_start3A_52 : memref<1x320x128xf32, #tpu.memory_space<hbm>> -> memref<320x128xf32, #tpu.memory_space<hbm>>
      %dma_start3A_54 = arith.constant 0 : i32
      %dma_start3A_55 = tpu.memref_slice %arg9[%mul3A_0, %dma_start3A_54] : memref<5128x128xf32, #tpu.memory_space<vmem_shared>> -> memref<320x128xf32, #tpu.memory_space<vmem_shared>>
      tpu.enqueue_dma source(%dma_start3A_55 : memref<320x128xf32, #tpu.memory_space<vmem_shared>>) target(%dma_start3A_53 : memref<320x128xf32, #tpu.memory_space<hbm>>) target_semaphore(%run_scoped3A : memref<!tpu.dma_semaphore, #tpu.memory_space<semaphore_mem>>)
      %dma_wait3A_56 = arith.constant 0 : i32
      %dma_wait3A_57 = tpu.memref_slice %arg5[%add3A_50, %mul3A_0, %dma_wait3A_56] : memref<2x5120x128xf32, #tpu.memory_space<hbm>> -> memref<1x320x128xf32, #tpu.memory_space<hbm>>
      %dma_wait3A_58 = tpu.memref_squeeze %dma_wait3A_57 : memref<1x320x128xf32, #tpu.memory_space<hbm>> -> memref<320x128xf32, #tpu.memory_space<hbm>>
      %dma_wait3A_59 = arith.constant 0 : i32
      %dma_wait3A_60 = tpu.memref_slice %arg9[%mul3A_0, %dma_wait3A_59] : memref<5128x128xf32, #tpu.memory_space<vmem_shared>> -> memref<320x128xf32, #tpu.memory_space<vmem_shared>>
      tpu.wait_dma2 semaphore(%run_scoped3A : memref<!tpu.dma_semaphore, #tpu.memory_space<semaphore_mem>>) src(%dma_wait3A_60 : memref<320x128xf32, #tpu.memory_space<vmem_shared>>) dst(%dma_wait3A_58 : memref<320x128xf32, #tpu.memory_space<hbm>>)
      tpu.yield
    }) : () -> ()
    return
  }
}

#map = affine_map<(d0, d1) -> (0, 0)>
#map1 = affine_map<(d0, d1) -> (0, 0, 0)>
module attributes {stable_mosaic.version = 14 : i64} {
  func.func @_scatter_body(%arg0: i32, %arg1: i32, %arg2: memref<10240x128xf32, #tpu.memory_space<hbm>>, %arg3: memref<16x160x128xi32, #tpu.memory_space<hbm>>, %arg4: memref<32x160x128xi32, #tpu.memory_space<hbm>>, %arg5: memref<2x5120x128xf32, #tpu.memory_space<hbm>>, %arg6: memref<160x128xi32, #tpu.memory_space<vmem>>, %arg7: memref<160x128xi32, #tpu.memory_space<vmem>>, %arg8: memref<2x128x128xf32, #tpu.memory_space<vmem>>, %arg9: memref<5128x128xf32, #tpu.memory_space<vmem_shared>>, %arg10: memref<!tpu.dma_semaphore, #tpu.memory_space<semaphore_mem>>, %arg11: memref<!tpu.dma_semaphore, #tpu.memory_space<semaphore_mem>>, %arg12: memref<!tpu.dma_semaphore, #tpu.memory_space<semaphore_mem>>, %arg13: memref<!tpu.dma_semaphore, #tpu.memory_space<semaphore_mem>>) attributes {dimension_semantics = [#tpu.dimension_semantics<core_parallel>, #tpu.dimension_semantics<subcore_parallel>], iteration_bounds = array<i64: 2, 16>, scalar_prefetch = 0 : i64, scratch_operands = 8 : i64, tpu.core_type = #tpu.core_type<sc_vector_subcore>, window_params = [{transform_indices = #map}, {transform_indices = #map1}, {transform_indices = #map1}, {transform_indices = #map1}]} {
    %mul3A = arith.constant 320 : i32
    %mul3A_0 = arith.muli %arg1, %mul3A : i32
    %mul3A_1 = arith.constant 16 : i32
    %mul3A_2 = arith.muli %arg0, %mul3A_1 : i32
    %add3A = arith.addi %mul3A_2, %arg1 : i32
    "tpu.region"() ({
      %run_scoped3A = tpu.sem_alloc : memref<!tpu.dma_semaphore, #tpu.memory_space<semaphore_mem>>
      %dma_start3A_51 = arith.constant 0 : i32
      %dma_start3A_52 = arith.constant 0 : i32
      %dma_start3A_53 = tpu.memref_slice %arg4[%add3A, %dma_start3A_51, %dma_start3A_52] : memref<32x160x128xi32, #tpu.memory_space<hbm>> -> memref<1x160x128xi32, #tpu.memory_space<hbm>>
      %dma_start3A_54 = tpu.memref_squeeze %dma_start3A_53 : memref<1x160x128xi32, #tpu.memory_space<hbm>> -> memref<160x128xi32, #tpu.memory_space<hbm>>
      %dma_start3A_55 = arith.constant 0 : i32
      %dma_start3A_56 = arith.constant 0 : i32
      %dma_start3A_57 = tpu.memref_slice %arg4[%add3A, %dma_start3A_55, %dma_start3A_56] : memref<32x160x128xi32, #tpu.memory_space<hbm>> -> memref<1x160x128xi32, #tpu.memory_space<hbm>>
      %dma_start3A_58 = tpu.memref_squeeze %dma_start3A_57 : memref<1x160x128xi32, #tpu.memory_space<hbm>> -> memref<160x128xi32, #tpu.memory_space<hbm>>
      tpu.enqueue_dma source(%dma_start3A_58 : memref<160x128xi32, #tpu.memory_space<hbm>>) target(%arg7 : memref<160x128xi32, #tpu.memory_space<vmem>>) target_semaphore(%run_scoped3A : memref<!tpu.dma_semaphore, #tpu.memory_space<semaphore_mem>>)
      %dma_wait3A_59 = arith.constant 0 : i32
      %dma_wait3A_60 = arith.constant 0 : i32
      %dma_wait3A_61 = tpu.memref_slice %arg4[%add3A, %dma_wait3A_59, %dma_wait3A_60] : memref<32x160x128xi32, #tpu.memory_space<hbm>> -> memref<1x160x128xi32, #tpu.memory_space<hbm>>
      %dma_wait3A_62 = tpu.memref_squeeze %dma_wait3A_61 : memref<1x160x128xi32, #tpu.memory_space<hbm>> -> memref<160x128xi32, #tpu.memory_space<hbm>>
      %dma_wait3A_63 = arith.constant 0 : i32
      %dma_wait3A_64 = arith.constant 0 : i32
      %dma_wait3A_65 = tpu.memref_slice %arg4[%add3A, %dma_wait3A_63, %dma_wait3A_64] : memref<32x160x128xi32, #tpu.memory_space<hbm>> -> memref<1x160x128xi32, #tpu.memory_space<hbm>>
      %dma_wait3A_66 = tpu.memref_squeeze %dma_wait3A_65 : memref<1x160x128xi32, #tpu.memory_space<hbm>> -> memref<160x128xi32, #tpu.memory_space<hbm>>
      tpu.wait_dma2 semaphore(%run_scoped3A : memref<!tpu.dma_semaphore, #tpu.memory_space<semaphore_mem>>) src(%dma_wait3A_66 : memref<160x128xi32, #tpu.memory_space<hbm>>) dst(%arg7 : memref<160x128xi32, #tpu.memory_space<vmem>>)
      tpu.yield
    }) : () -> ()
    %mul3A_3 = arith.constant 5120 : i32
    %mul3A_4 = arith.muli %arg0, %mul3A_3 : i32
    %add3A_5 = arith.constant 0 : i32
    %add3A_6 = arith.addi %add3A_5, %mul3A_4 : i32
    %add3A_7 = arith.addi %add3A_6, %mul3A_0 : i32
    "tpu.region"() ({
      %run_scoped3A = tpu.sem_alloc : memref<!tpu.dma_semaphore, #tpu.memory_space<semaphore_mem>>
      %dma_start3A_51 = arith.constant 0 : i32
      %dma_start3A_52 = tpu.memref_slice %arg9[%mul3A_0, %dma_start3A_51] : memref<5128x128xf32, #tpu.memory_space<vmem_shared>> -> memref<320x128xf32, #tpu.memory_space<vmem_shared>>
      %dma_start3A_53 = arith.constant 0 : i32
      %dma_start3A_54 = tpu.memref_slice %arg2[%add3A_7, %dma_start3A_53] : memref<10240x128xf32, #tpu.memory_space<hbm>> -> memref<320x128xf32, #tpu.memory_space<hbm>>
      tpu.enqueue_dma source(%dma_start3A_54 : memref<320x128xf32, #tpu.memory_space<hbm>>) target(%dma_start3A_52 : memref<320x128xf32, #tpu.memory_space<vmem_shared>>) target_semaphore(%run_scoped3A : memref<!tpu.dma_semaphore, #tpu.memory_space<semaphore_mem>>)
      %dma_wait3A_55 = arith.constant 0 : i32
      %dma_wait3A_56 = tpu.memref_slice %arg9[%mul3A_0, %dma_wait3A_55] : memref<5128x128xf32, #tpu.memory_space<vmem_shared>> -> memref<320x128xf32, #tpu.memory_space<vmem_shared>>
      %dma_wait3A_57 = arith.constant 0 : i32
      %dma_wait3A_58 = tpu.memref_slice %arg2[%add3A_7, %dma_wait3A_57] : memref<10240x128xf32, #tpu.memory_space<hbm>> -> memref<320x128xf32, #tpu.memory_space<hbm>>
      tpu.wait_dma2 semaphore(%run_scoped3A : memref<!tpu.dma_semaphore, #tpu.memory_space<semaphore_mem>>) src(%dma_wait3A_58 : memref<320x128xf32, #tpu.memory_space<hbm>>) dst(%dma_wait3A_56 : memref<320x128xf32, #tpu.memory_space<vmem_shared>>)
      tpu.yield
    }) : () -> ()
    %add3A_8 = arith.constant 0 : i32
    %add3A_9 = arith.addi %add3A_8, %arg1 : i32
    "tpu.region"() ({
      %run_scoped3A = tpu.sem_alloc : memref<!tpu.dma_semaphore, #tpu.memory_space<semaphore_mem>>
      %dma_start3A_51 = arith.constant 0 : i32
      %dma_start3A_52 = arith.constant 0 : i32
      %dma_start3A_53 = tpu.memref_slice %arg3[%add3A_9, %dma_start3A_51, %dma_start3A_52] : memref<16x160x128xi32, #tpu.memory_space<hbm>> -> memref<1x160x128xi32, #tpu.memory_space<hbm>>
      %dma_start3A_54 = tpu.memref_squeeze %dma_start3A_53 : memref<1x160x128xi32, #tpu.memory_space<hbm>> -> memref<160x128xi32, #tpu.memory_space<hbm>>
      %dma_start3A_55 = arith.constant 0 : i32
      %dma_start3A_56 = arith.constant 0 : i32
      %dma_start3A_57 = tpu.memref_slice %arg3[%add3A_9, %dma_start3A_55, %dma_start3A_56] : memref<16x160x128xi32, #tpu.memory_space<hbm>> -> memref<1x160x128xi32, #tpu.memory_space<hbm>>
      %dma_start3A_58 = tpu.memref_squeeze %dma_start3A_57 : memref<1x160x128xi32, #tpu.memory_space<hbm>> -> memref<160x128xi32, #tpu.memory_space<hbm>>
      tpu.enqueue_dma source(%dma_start3A_58 : memref<160x128xi32, #tpu.memory_space<hbm>>) target(%arg6 : memref<160x128xi32, #tpu.memory_space<vmem>>) target_semaphore(%run_scoped3A : memref<!tpu.dma_semaphore, #tpu.memory_space<semaphore_mem>>)
      %dma_wait3A_59 = arith.constant 0 : i32
      %dma_wait3A_60 = arith.constant 0 : i32
      %dma_wait3A_61 = tpu.memref_slice %arg3[%add3A_9, %dma_wait3A_59, %dma_wait3A_60] : memref<16x160x128xi32, #tpu.memory_space<hbm>> -> memref<1x160x128xi32, #tpu.memory_space<hbm>>
      %dma_wait3A_62 = tpu.memref_squeeze %dma_wait3A_61 : memref<1x160x128xi32, #tpu.memory_space<hbm>> -> memref<160x128xi32, #tpu.memory_space<hbm>>
      %dma_wait3A_63 = arith.constant 0 : i32
      %dma_wait3A_64 = arith.constant 0 : i32
      %dma_wait3A_65 = tpu.memref_slice %arg3[%add3A_9, %dma_wait3A_63, %dma_wait3A_64] : memref<16x160x128xi32, #tpu.memory_space<hbm>> -> memref<1x160x128xi32, #tpu.memory_space<hbm>>
      %dma_wait3A_66 = tpu.memref_squeeze %dma_wait3A_65 : memref<1x160x128xi32, #tpu.memory_space<hbm>> -> memref<160x128xi32, #tpu.memory_space<hbm>>
      tpu.wait_dma2 semaphore(%run_scoped3A : memref<!tpu.dma_semaphore, #tpu.memory_space<semaphore_mem>>) src(%dma_wait3A_66 : memref<160x128xi32, #tpu.memory_space<hbm>>) dst(%arg6 : memref<160x128xi32, #tpu.memory_space<vmem>>)
      tpu.yield
    }) : () -> ()
    %barrier3A = arith.constant 0 : index
    tpu.barrier barrier_id(%barrier3A)
    %dma_start3A = arith.constant 0 : i32
    %dma_start3A_10 = arith.constant 0 : i32
    %dma_start3A_11 = arith.constant 0 : i32
    %dma_start3A_12 = arith.constant 0 : i32
    %dma_start3A_13 = tpu.memref_slice %arg8[%dma_start3A_10, %dma_start3A_11, %dma_start3A_12] : memref<2x128x128xf32, #tpu.memory_space<vmem>> -> memref<1x128x128xf32, #tpu.memory_space<vmem>>
    %dma_start3A_14 = tpu.memref_squeeze %dma_start3A_13 : memref<1x128x128xf32, #tpu.memory_space<vmem>> -> memref<128x128xf32, #tpu.memory_space<vmem>>
    %dma_start3A_15 = arith.constant 0 : i32
    %dma_start3A_16 = tpu.memref_slice %arg6[%dma_start3A, %dma_start3A_15] : memref<160x128xi32, #tpu.memory_space<vmem>> -> memref<1x128xi32, #tpu.memory_space<vmem>>
    %dma_start3A_17 = tpu.memref_squeeze %dma_start3A_16 : memref<1x128xi32, #tpu.memory_space<vmem>> -> memref<128xi32, #tpu.memory_space<vmem>>
    %dma_start3A_18 = arith.constant 0 : i32
    %dma_start3A_19 = arith.constant 0 : i32
    %dma_start3A_20 = tpu.memref_slice %arg2[%dma_start3A_18, %dma_start3A_19] : memref<10240x128xf32, #tpu.memory_space<hbm>> -> memref<10240x128xf32, #tpu.memory_space<hbm>>
    tpu.enqueue_indirect_dma source(%dma_start3A_20 : memref<10240x128xf32, #tpu.memory_space<hbm>>) target(%dma_start3A_14 : memref<128x128xf32, #tpu.memory_space<vmem>>) offsets(%dma_start3A_17 : memref<128xi32, #tpu.memory_space<vmem>>) semaphore(%arg10 : memref<!tpu.dma_semaphore, #tpu.memory_space<semaphore_mem>>)
    %scan3A = arith.constant 0 : i32
    %scan3A_21 = arith.constant 80 : i32
    %scan3A_22 = arith.addi %scan3A, %scan3A_21 : i32
    %scan3A_23 = arith.constant 1 : i32
    scf.for %scan3A_51 = %scan3A to %scan3A_22 step %scan3A_23  : i32 {
      %mul3A_52 = arith.constant 2 : i32
      %mul3A_53 = arith.muli %scan3A_51, %mul3A_52 : i32
      %add3A_54 = arith.constant 0 : i32
      %add3A_55 = arith.addi %add3A_54, %mul3A_53 : i32
      %add3A_56 = arith.constant 0 : i32
      %add3A_57 = arith.addi %add3A_55, %add3A_56 : i32
      %add3A_58 = arith.constant 1 : i32
      %add3A_59 = arith.addi %add3A_57, %add3A_58 : i32
      %lt3A = arith.constant 160 : i32
      %lt3A_60 = arith.cmpi slt, %add3A_59, %lt3A : i32
      %convert_element_type3A = arith.extui %lt3A_60 : i1 to i32
      %cond3A = arith.constant 0 : i32
      %cond3A_61 = arith.cmpi ne, %convert_element_type3A, %cond3A : i32
      scf.if %cond3A_61 {
        %ge3A = arith.constant 1 : i32
        %ge3A_117 = arith.cmpi sge, %add3A_57, %ge3A : i32
        %convert_element_type3A_118 = arith.extui %ge3A_117 : i1 to i32
        %cond3A_119 = arith.constant 0 : i32
        %cond3A_120 = arith.cmpi ne, %convert_element_type3A_118, %cond3A_119 : i32
        scf.if %cond3A_120 {
          %dma_wait3A_134 = arith.constant 1 : i32
          %dma_wait3A_135 = arith.constant 0 : i32
          %dma_wait3A_136 = arith.constant 0 : i32
          %dma_wait3A_137 = arith.constant 0 : i32
          %dma_wait3A_138 = tpu.memref_slice %arg8[%dma_wait3A_134, %dma_wait3A_136, %dma_wait3A_137] : memref<2x128x128xf32, #tpu.memory_space<vmem>> -> memref<1x128x128xf32, #tpu.memory_space<vmem>>
          %dma_wait3A_139 = tpu.memref_squeeze %dma_wait3A_138 : memref<1x128x128xf32, #tpu.memory_space<vmem>> -> memref<128x128xf32, #tpu.memory_space<vmem>>
          %dma_wait3A_140 = arith.constant 0 : i32
          %dma_wait3A_141 = tpu.memref_slice %arg7[%dma_wait3A_135, %dma_wait3A_140] : memref<160x128xi32, #tpu.memory_space<vmem>> -> memref<1x128xi32, #tpu.memory_space<vmem>>
          %dma_wait3A_142 = tpu.memref_squeeze %dma_wait3A_141 : memref<1x128xi32, #tpu.memory_space<vmem>> -> memref<128xi32, #tpu.memory_space<vmem>>
          %dma_wait3A_143 = arith.constant 0 : i32
          %dma_wait3A_144 = arith.constant 0 : i32
          %dma_wait3A_145 = tpu.memref_slice %arg9[%dma_wait3A_143, %dma_wait3A_144] : memref<5128x128xf32, #tpu.memory_space<vmem_shared>> -> memref<5128x128xf32, #tpu.memory_space<vmem_shared>>
          tpu.wait_indirect_dma semaphore(%arg13 : memref<!tpu.dma_semaphore, #tpu.memory_space<semaphore_mem>>) src(%dma_wait3A_139 : memref<128x128xf32, #tpu.memory_space<vmem>>) dst(%dma_wait3A_145 : memref<5128x128xf32, #tpu.memory_space<vmem_shared>>)
        } else {
        }
        %add3A_121 = arith.constant 1 : i32
        %add3A_122 = arith.addi %add3A_57, %add3A_121 : i32
        %dma_start3A_123 = arith.constant 1 : i32
        %dma_start3A_124 = arith.constant 0 : i32
        %dma_start3A_125 = arith.constant 0 : i32
        %dma_start3A_126 = tpu.memref_slice %arg8[%dma_start3A_123, %dma_start3A_124, %dma_start3A_125] : memref<2x128x128xf32, #tpu.memory_space<vmem>> -> memref<1x128x128xf32, #tpu.memory_space<vmem>>
        %dma_start3A_127 = tpu.memref_squeeze %dma_start3A_126 : memref<1x128x128xf32, #tpu.memory_space<vmem>> -> memref<128x128xf32, #tpu.memory_space<vmem>>
        %dma_start3A_128 = arith.constant 0 : i32
        %dma_start3A_129 = tpu.memref_slice %arg6[%add3A_122, %dma_start3A_128] : memref<160x128xi32, #tpu.memory_space<vmem>> -> memref<1x128xi32, #tpu.memory_space<vmem>>
        %dma_start3A_130 = tpu.memref_squeeze %dma_start3A_129 : memref<1x128xi32, #tpu.memory_space<vmem>> -> memref<128xi32, #tpu.memory_space<vmem>>
        %dma_start3A_131 = arith.constant 0 : i32
        %dma_start3A_132 = arith.constant 0 : i32
        %dma_start3A_133 = tpu.memref_slice %arg2[%dma_start3A_131, %dma_start3A_132] : memref<10240x128xf32, #tpu.memory_space<hbm>> -> memref<10240x128xf32, #tpu.memory_space<hbm>>
        tpu.enqueue_indirect_dma source(%dma_start3A_133 : memref<10240x128xf32, #tpu.memory_space<hbm>>) target(%dma_start3A_127 : memref<128x128xf32, #tpu.memory_space<vmem>>) offsets(%dma_start3A_130 : memref<128xi32, #tpu.memory_space<vmem>>) semaphore(%arg11 : memref<!tpu.dma_semaphore, #tpu.memory_space<semaphore_mem>>)
      } else {
      }
      %dma_wait3A_62 = arith.constant 0 : i32
      %dma_wait3A_63 = arith.constant 0 : i32
      %dma_wait3A_64 = arith.constant 0 : i32
      %dma_wait3A_65 = arith.constant 0 : i32
      %dma_wait3A_66 = tpu.memref_slice %arg8[%dma_wait3A_63, %dma_wait3A_64, %dma_wait3A_65] : memref<2x128x128xf32, #tpu.memory_space<vmem>> -> memref<1x128x128xf32, #tpu.memory_space<vmem>>
      %dma_wait3A_67 = tpu.memref_squeeze %dma_wait3A_66 : memref<1x128x128xf32, #tpu.memory_space<vmem>> -> memref<128x128xf32, #tpu.memory_space<vmem>>
      %dma_wait3A_68 = arith.constant 0 : i32
      %dma_wait3A_69 = tpu.memref_slice %arg6[%dma_wait3A_62, %dma_wait3A_68] : memref<160x128xi32, #tpu.memory_space<vmem>> -> memref<1x128xi32, #tpu.memory_space<vmem>>
      %dma_wait3A_70 = tpu.memref_squeeze %dma_wait3A_69 : memref<1x128xi32, #tpu.memory_space<vmem>> -> memref<128xi32, #tpu.memory_space<vmem>>
      %dma_wait3A_71 = arith.constant 0 : i32
      %dma_wait3A_72 = arith.constant 0 : i32
      %dma_wait3A_73 = tpu.memref_slice %arg2[%dma_wait3A_71, %dma_wait3A_72] : memref<10240x128xf32, #tpu.memory_space<hbm>> -> memref<10240x128xf32, #tpu.memory_space<hbm>>
      tpu.wait_indirect_dma semaphore(%arg10 : memref<!tpu.dma_semaphore, #tpu.memory_space<semaphore_mem>>) src(%dma_wait3A_73 : memref<10240x128xf32, #tpu.memory_space<hbm>>) dst(%dma_wait3A_67 : memref<128x128xf32, #tpu.memory_space<vmem>>)
      %dma_start3A_74 = arith.constant 0 : i32
      %dma_start3A_75 = arith.constant 0 : i32
      %dma_start3A_76 = arith.constant 0 : i32
      %dma_start3A_77 = tpu.memref_slice %arg8[%dma_start3A_74, %dma_start3A_75, %dma_start3A_76] : memref<2x128x128xf32, #tpu.memory_space<vmem>> -> memref<1x128x128xf32, #tpu.memory_space<vmem>>
      %dma_start3A_78 = tpu.memref_squeeze %dma_start3A_77 : memref<1x128x128xf32, #tpu.memory_space<vmem>> -> memref<128x128xf32, #tpu.memory_space<vmem>>
      %dma_start3A_79 = arith.constant 0 : i32
      %dma_start3A_80 = tpu.memref_slice %arg7[%add3A_57, %dma_start3A_79] : memref<160x128xi32, #tpu.memory_space<vmem>> -> memref<1x128xi32, #tpu.memory_space<vmem>>
      %dma_start3A_81 = tpu.memref_squeeze %dma_start3A_80 : memref<1x128xi32, #tpu.memory_space<vmem>> -> memref<128xi32, #tpu.memory_space<vmem>>
      %dma_start3A_82 = arith.constant 0 : i32
      %dma_start3A_83 = arith.constant 0 : i32
      %dma_start3A_84 = tpu.memref_slice %arg9[%dma_start3A_82, %dma_start3A_83] : memref<5128x128xf32, #tpu.memory_space<vmem_shared>> -> memref<5128x128xf32, #tpu.memory_space<vmem_shared>>
      tpu.enqueue_indirect_dma source(%dma_start3A_78 : memref<128x128xf32, #tpu.memory_space<vmem>>) target(%dma_start3A_84 : memref<5128x128xf32, #tpu.memory_space<vmem_shared>>) offsets(%dma_start3A_81 : memref<128xi32, #tpu.memory_space<vmem>>) semaphore(%arg12 : memref<!tpu.dma_semaphore, #tpu.memory_space<semaphore_mem>>) {add = true}
      %add3A_85 = arith.constant 1 : i32
      %add3A_86 = arith.addi %add3A_55, %add3A_85 : i32
      %add3A_87 = arith.constant 1 : i32
      %add3A_88 = arith.addi %add3A_86, %add3A_87 : i32
      %lt3A_89 = arith.constant 160 : i32
      %lt3A_90 = arith.cmpi slt, %add3A_88, %lt3A_89 : i32
      %convert_element_type3A_91 = arith.extui %lt3A_90 : i1 to i32
      %cond3A_92 = arith.constant 0 : i32
      %cond3A_93 = arith.cmpi ne, %convert_element_type3A_91, %cond3A_92 : i32
      scf.if %cond3A_93 {
        %ge3A = arith.constant 1 : i32
        %ge3A_117 = arith.cmpi sge, %add3A_86, %ge3A : i32
        %convert_element_type3A_118 = arith.extui %ge3A_117 : i1 to i32
        %cond3A_119 = arith.constant 0 : i32
        %cond3A_120 = arith.cmpi ne, %convert_element_type3A_118, %cond3A_119 : i32
        scf.if %cond3A_120 {
          %dma_wait3A_134 = arith.constant 0 : i32
          %dma_wait3A_135 = arith.constant 0 : i32
          %dma_wait3A_136 = arith.constant 0 : i32
          %dma_wait3A_137 = arith.constant 0 : i32
          %dma_wait3A_138 = tpu.memref_slice %arg8[%dma_wait3A_134, %dma_wait3A_136, %dma_wait3A_137] : memref<2x128x128xf32, #tpu.memory_space<vmem>> -> memref<1x128x128xf32, #tpu.memory_space<vmem>>
          %dma_wait3A_139 = tpu.memref_squeeze %dma_wait3A_138 : memref<1x128x128xf32, #tpu.memory_space<vmem>> -> memref<128x128xf32, #tpu.memory_space<vmem>>
          %dma_wait3A_140 = arith.constant 0 : i32
          %dma_wait3A_141 = tpu.memref_slice %arg7[%dma_wait3A_135, %dma_wait3A_140] : memref<160x128xi32, #tpu.memory_space<vmem>> -> memref<1x128xi32, #tpu.memory_space<vmem>>
          %dma_wait3A_142 = tpu.memref_squeeze %dma_wait3A_141 : memref<1x128xi32, #tpu.memory_space<vmem>> -> memref<128xi32, #tpu.memory_space<vmem>>
          %dma_wait3A_143 = arith.constant 0 : i32
          %dma_wait3A_144 = arith.constant 0 : i32
          %dma_wait3A_145 = tpu.memref_slice %arg9[%dma_wait3A_143, %dma_wait3A_144] : memref<5128x128xf32, #tpu.memory_space<vmem_shared>> -> memref<5128x128xf32, #tpu.memory_space<vmem_shared>>
          tpu.wait_indirect_dma semaphore(%arg12 : memref<!tpu.dma_semaphore, #tpu.memory_space<semaphore_mem>>) src(%dma_wait3A_139 : memref<128x128xf32, #tpu.memory_space<vmem>>) dst(%dma_wait3A_145 : memref<5128x128xf32, #tpu.memory_space<vmem_shared>>)
        } else {
        }
        %add3A_121 = arith.constant 1 : i32
        %add3A_122 = arith.addi %add3A_86, %add3A_121 : i32
        %dma_start3A_123 = arith.constant 0 : i32
        %dma_start3A_124 = arith.constant 0 : i32
        %dma_start3A_125 = arith.constant 0 : i32
        %dma_start3A_126 = tpu.memref_slice %arg8[%dma_start3A_123, %dma_start3A_124, %dma_start3A_125] : memref<2x128x128xf32, #tpu.memory_space<vmem>> -> memref<1x128x128xf32, #tpu.memory_space<vmem>>
        %dma_start3A_127 = tpu.memref_squeeze %dma_start3A_126 : memref<1x128x128xf32, #tpu.memory_space<vmem>> -> memref<128x128xf32, #tpu.memory_space<vmem>>
        %dma_start3A_128 = arith.constant 0 : i32
        %dma_start3A_129 = tpu.memref_slice %arg6[%add3A_122, %dma_start3A_128] : memref<160x128xi32, #tpu.memory_space<vmem>> -> memref<1x128xi32, #tpu.memory_space<vmem>>
        %dma_start3A_130 = tpu.memref_squeeze %dma_start3A_129 : memref<1x128xi32, #tpu.memory_space<vmem>> -> memref<128xi32, #tpu.memory_space<vmem>>
        %dma_start3A_131 = arith.constant 0 : i32
        %dma_start3A_132 = arith.constant 0 : i32
        %dma_start3A_133 = tpu.memref_slice %arg2[%dma_start3A_131, %dma_start3A_132] : memref<10240x128xf32, #tpu.memory_space<hbm>> -> memref<10240x128xf32, #tpu.memory_space<hbm>>
        tpu.enqueue_indirect_dma source(%dma_start3A_133 : memref<10240x128xf32, #tpu.memory_space<hbm>>) target(%dma_start3A_127 : memref<128x128xf32, #tpu.memory_space<vmem>>) offsets(%dma_start3A_130 : memref<128xi32, #tpu.memory_space<vmem>>) semaphore(%arg10 : memref<!tpu.dma_semaphore, #tpu.memory_space<semaphore_mem>>)
      } else {
      }
      %dma_wait3A_94 = arith.constant 0 : i32
      %dma_wait3A_95 = arith.constant 1 : i32
      %dma_wait3A_96 = arith.constant 0 : i32
      %dma_wait3A_97 = arith.constant 0 : i32
      %dma_wait3A_98 = tpu.memref_slice %arg8[%dma_wait3A_95, %dma_wait3A_96, %dma_wait3A_97] : memref<2x128x128xf32, #tpu.memory_space<vmem>> -> memref<1x128x128xf32, #tpu.memory_space<vmem>>
      %dma_wait3A_99 = tpu.memref_squeeze %dma_wait3A_98 : memref<1x128x128xf32, #tpu.memory_space<vmem>> -> memref<128x128xf32, #tpu.memory_space<vmem>>
      %dma_wait3A_100 = arith.constant 0 : i32
      %dma_wait3A_101 = tpu.memref_slice %arg6[%dma_wait3A_94, %dma_wait3A_100] : memref<160x128xi32, #tpu.memory_space<vmem>> -> memref<1x128xi32, #tpu.memory_space<vmem>>
      %dma_wait3A_102 = tpu.memref_squeeze %dma_wait3A_101 : memref<1x128xi32, #tpu.memory_space<vmem>> -> memref<128xi32, #tpu.memory_space<vmem>>
      %dma_wait3A_103 = arith.constant 0 : i32
      %dma_wait3A_104 = arith.constant 0 : i32
      %dma_wait3A_105 = tpu.memref_slice %arg2[%dma_wait3A_103, %dma_wait3A_104] : memref<10240x128xf32, #tpu.memory_space<hbm>> -> memref<10240x128xf32, #tpu.memory_space<hbm>>
      tpu.wait_indirect_dma semaphore(%arg11 : memref<!tpu.dma_semaphore, #tpu.memory_space<semaphore_mem>>) src(%dma_wait3A_105 : memref<10240x128xf32, #tpu.memory_space<hbm>>) dst(%dma_wait3A_99 : memref<128x128xf32, #tpu.memory_space<vmem>>)
      %dma_start3A_106 = arith.constant 1 : i32
      %dma_start3A_107 = arith.constant 0 : i32
      %dma_start3A_108 = arith.constant 0 : i32
      %dma_start3A_109 = tpu.memref_slice %arg8[%dma_start3A_106, %dma_start3A_107, %dma_start3A_108] : memref<2x128x128xf32, #tpu.memory_space<vmem>> -> memref<1x128x128xf32, #tpu.memory_space<vmem>>
      %dma_start3A_110 = tpu.memref_squeeze %dma_start3A_109 : memref<1x128x128xf32, #tpu.memory_space<vmem>> -> memref<128x128xf32, #tpu.memory_space<vmem>>
      %dma_start3A_111 = arith.constant 0 : i32
      %dma_start3A_112 = tpu.memref_slice %arg7[%add3A_86, %dma_start3A_111] : memref<160x128xi32, #tpu.memory_space<vmem>> -> memref<1x128xi32, #tpu.memory_space<vmem>>
      %dma_start3A_113 = tpu.memref_squeeze %dma_start3A_112 : memref<1x128xi32, #tpu.memory_space<vmem>> -> memref<128xi32, #tpu.memory_space<vmem>>
      %dma_start3A_114 = arith.constant 0 : i32
      %dma_start3A_115 = arith.constant 0 : i32
      %dma_start3A_116 = tpu.memref_slice %arg9[%dma_start3A_114, %dma_start3A_115] : memref<5128x128xf32, #tpu.memory_space<vmem_shared>> -> memref<5128x128xf32, #tpu.memory_space<vmem_shared>>
      tpu.enqueue_indirect_dma source(%dma_start3A_110 : memref<128x128xf32, #tpu.memory_space<vmem>>) target(%dma_start3A_116 : memref<5128x128xf32, #tpu.memory_space<vmem_shared>>) offsets(%dma_start3A_113 : memref<128xi32, #tpu.memory_space<vmem>>) semaphore(%arg13 : memref<!tpu.dma_semaphore, #tpu.memory_space<semaphore_mem>>) {add = true}
    }
    %scan3A_24 = arith.constant 80 : i32
    %dma_wait3A = arith.constant 0 : i32
    %dma_wait3A_25 = arith.constant 0 : i32
    %dma_wait3A_26 = arith.constant 0 : i32
    %dma_wait3A_27 = arith.constant 0 : i32
    %dma_wait3A_28 = tpu.memref_slice %arg8[%dma_wait3A, %dma_wait3A_26, %dma_wait3A_27] : memref<2x128x128xf32, #tpu.memory_space<vmem>> -> memref<1x128x128xf32, #tpu.memory_space<vmem>>
    %dma_wait3A_29 = tpu.memref_squeeze %dma_wait3A_28 : memref<1x128x128xf32, #tpu.memory_space<vmem>> -> memref<128x128xf32, #tpu.memory_space<vmem>>
    %dma_wait3A_30 = arith.constant 0 : i32
    %dma_wait3A_31 = tpu.memref_slice %arg7[%dma_wait3A_25, %dma_wait3A_30] : memref<160x128xi32, #tpu.memory_space<vmem>> -> memref<1x128xi32, #tpu.memory_space<vmem>>
    %dma_wait3A_32 = tpu.memref_squeeze %dma_wait3A_31 : memref<1x128xi32, #tpu.memory_space<vmem>> -> memref<128xi32, #tpu.memory_space<vmem>>
    %dma_wait3A_33 = arith.constant 0 : i32
    %dma_wait3A_34 = arith.constant 0 : i32
    %dma_wait3A_35 = tpu.memref_slice %arg9[%dma_wait3A_33, %dma_wait3A_34] : memref<5128x128xf32, #tpu.memory_space<vmem_shared>> -> memref<5128x128xf32, #tpu.memory_space<vmem_shared>>
    tpu.wait_indirect_dma semaphore(%arg12 : memref<!tpu.dma_semaphore, #tpu.memory_space<semaphore_mem>>) src(%dma_wait3A_29 : memref<128x128xf32, #tpu.memory_space<vmem>>) dst(%dma_wait3A_35 : memref<5128x128xf32, #tpu.memory_space<vmem_shared>>)
    %dma_wait3A_36 = arith.constant 1 : i32
    %dma_wait3A_37 = arith.constant 0 : i32
    %dma_wait3A_38 = arith.constant 0 : i32
    %dma_wait3A_39 = arith.constant 0 : i32
    %dma_wait3A_40 = tpu.memref_slice %arg8[%dma_wait3A_36, %dma_wait3A_38, %dma_wait3A_39] : memref<2x128x128xf32, #tpu.memory_space<vmem>> -> memref<1x128x128xf32, #tpu.memory_space<vmem>>
    %dma_wait3A_41 = tpu.memref_squeeze %dma_wait3A_40 : memref<1x128x128xf32, #tpu.memory_space<vmem>> -> memref<128x128xf32, #tpu.memory_space<vmem>>
    %dma_wait3A_42 = arith.constant 0 : i32
    %dma_wait3A_43 = tpu.memref_slice %arg7[%dma_wait3A_37, %dma_wait3A_42] : memref<160x128xi32, #tpu.memory_space<vmem>> -> memref<1x128xi32, #tpu.memory_space<vmem>>
    %dma_wait3A_44 = tpu.memref_squeeze %dma_wait3A_43 : memref<1x128xi32, #tpu.memory_space<vmem>> -> memref<128xi32, #tpu.memory_space<vmem>>
    %dma_wait3A_45 = arith.constant 0 : i32
    %dma_wait3A_46 = arith.constant 0 : i32
    %dma_wait3A_47 = tpu.memref_slice %arg9[%dma_wait3A_45, %dma_wait3A_46] : memref<5128x128xf32, #tpu.memory_space<vmem_shared>> -> memref<5128x128xf32, #tpu.memory_space<vmem_shared>>
    tpu.wait_indirect_dma semaphore(%arg13 : memref<!tpu.dma_semaphore, #tpu.memory_space<semaphore_mem>>) src(%dma_wait3A_41 : memref<128x128xf32, #tpu.memory_space<vmem>>) dst(%dma_wait3A_47 : memref<5128x128xf32, #tpu.memory_space<vmem_shared>>)
    %barrier3A_48 = arith.constant 0 : index
    tpu.barrier barrier_id(%barrier3A_48)
    %add3A_49 = arith.constant 0 : i32
    %add3A_50 = arith.addi %add3A_49, %arg0 : i32
    "tpu.region"() ({
      %run_scoped3A = tpu.sem_alloc : memref<!tpu.dma_semaphore, #tpu.memory_space<semaphore_mem>>
      %dma_start3A_51 = arith.constant 0 : i32
      %dma_start3A_52 = tpu.memref_slice %arg5[%add3A_50, %mul3A_0, %dma_start3A_51] : memref<2x5120x128xf32, #tpu.memory_space<hbm>> -> memref<1x320x128xf32, #tpu.memory_space<hbm>>
      %dma_start3A_53 = tpu.memref_squeeze %dma_start3A_52 : memref<1x320x128xf32, #tpu.memory_space<hbm>> -> memref<320x128xf32, #tpu.memory_space<hbm>>
      %dma_start3A_54 = arith.constant 0 : i32
      %dma_start3A_55 = tpu.memref_slice %arg9[%mul3A_0, %dma_start3A_54] : memref<5128x128xf32, #tpu.memory_space<vmem_shared>> -> memref<320x128xf32, #tpu.memory_space<vmem_shared>>
      tpu.enqueue_dma source(%dma_start3A_55 : memref<320x128xf32, #tpu.memory_space<vmem_shared>>) target(%dma_start3A_53 : memref<320x128xf32, #tpu.memory_space<hbm>>) target_semaphore(%run_scoped3A : memref<!tpu.dma_semaphore, #tpu.memory_space<semaphore_mem>>)
      %dma_wait3A_56 = arith.constant 0 : i32
      %dma_wait3A_57 = tpu.memref_slice %arg5[%add3A_50, %mul3A_0, %dma_wait3A_56] : memref<2x5120x128xf32, #tpu.memory_space<hbm>> -> memref<1x320x128xf32, #tpu.memory_space<hbm>>
      %dma_wait3A_58 = tpu.memref_squeeze %dma_wait3A_57 : memref<1x320x128xf32, #tpu.memory_space<hbm>> -> memref<320x128xf32, #tpu.memory_space<hbm>>
      %dma_wait3A_59 = arith.constant 0 : i32
      %dma_wait3A_60 = tpu.memref_slice %arg9[%mul3A_0, %dma_wait3A_59] : memref<5128x128xf32, #tpu.memory_space<vmem_shared>> -> memref<320x128xf32, #tpu.memory_space<vmem_shared>>
      tpu.wait_dma2 semaphore(%run_scoped3A : memref<!tpu.dma_semaphore, #tpu.memory_space<semaphore_mem>>) src(%dma_wait3A_60 : memref<320x128xf32, #tpu.memory_space<vmem_shared>>) dst(%dma_wait3A_58 : memref<320x128xf32, #tpu.memory_space<hbm>>)
      tpu.yield
    }) : () -> ()
    return
  }
}

#map = affine_map<(d0, d1) -> (0, 0)>
#map1 = affine_map<(d0, d1) -> (0, 0, 0)>
module attributes {stable_mosaic.version = 14 : i64} {
  func.func @_scatter_body(%arg0: i32, %arg1: i32, %arg2: memref<20480x128xf32, #tpu.memory_space<hbm>>, %arg3: memref<32x160x128xi32, #tpu.memory_space<hbm>>, %arg4: memref<32x160x128xi32, #tpu.memory_space<hbm>>, %arg5: memref<4x5120x128xf32, #tpu.memory_space<hbm>>, %arg6: memref<160x128xi32, #tpu.memory_space<vmem>>, %arg7: memref<160x128xi32, #tpu.memory_space<vmem>>, %arg8: memref<2x128x128xf32, #tpu.memory_space<vmem>>, %arg9: memref<5128x128xf32, #tpu.memory_space<vmem_shared>>, %arg10: memref<!tpu.dma_semaphore, #tpu.memory_space<semaphore_mem>>, %arg11: memref<!tpu.dma_semaphore, #tpu.memory_space<semaphore_mem>>, %arg12: memref<!tpu.dma_semaphore, #tpu.memory_space<semaphore_mem>>, %arg13: memref<!tpu.dma_semaphore, #tpu.memory_space<semaphore_mem>>) attributes {dimension_semantics = [#tpu.dimension_semantics<core_parallel>, #tpu.dimension_semantics<subcore_parallel>], iteration_bounds = array<i64: 2, 16>, scalar_prefetch = 0 : i64, scratch_operands = 8 : i64, tpu.core_type = #tpu.core_type<sc_vector_subcore>, window_params = [{transform_indices = #map}, {transform_indices = #map1}, {transform_indices = #map1}, {transform_indices = #map1}]} {
    %mul3A = arith.constant 320 : i32
    %mul3A_0 = arith.muli %arg1, %mul3A : i32
    %mul3A_1 = arith.constant 16 : i32
    %mul3A_2 = arith.muli %arg0, %mul3A_1 : i32
    %add3A = arith.addi %mul3A_2, %arg1 : i32
    "tpu.region"() ({
      %run_scoped3A = tpu.sem_alloc : memref<!tpu.dma_semaphore, #tpu.memory_space<semaphore_mem>>
      %dma_start3A_104 = arith.constant 0 : i32
      %dma_start3A_105 = arith.constant 0 : i32
      %dma_start3A_106 = tpu.memref_slice %arg4[%add3A, %dma_start3A_104, %dma_start3A_105] : memref<32x160x128xi32, #tpu.memory_space<hbm>> -> memref<1x160x128xi32, #tpu.memory_space<hbm>>
      %dma_start3A_107 = tpu.memref_squeeze %dma_start3A_106 : memref<1x160x128xi32, #tpu.memory_space<hbm>> -> memref<160x128xi32, #tpu.memory_space<hbm>>
      %dma_start3A_108 = arith.constant 0 : i32
      %dma_start3A_109 = arith.constant 0 : i32
      %dma_start3A_110 = tpu.memref_slice %arg4[%add3A, %dma_start3A_108, %dma_start3A_109] : memref<32x160x128xi32, #tpu.memory_space<hbm>> -> memref<1x160x128xi32, #tpu.memory_space<hbm>>
      %dma_start3A_111 = tpu.memref_squeeze %dma_start3A_110 : memref<1x160x128xi32, #tpu.memory_space<hbm>> -> memref<160x128xi32, #tpu.memory_space<hbm>>
      tpu.enqueue_dma source(%dma_start3A_111 : memref<160x128xi32, #tpu.memory_space<hbm>>) target(%arg7 : memref<160x128xi32, #tpu.memory_space<vmem>>) target_semaphore(%run_scoped3A : memref<!tpu.dma_semaphore, #tpu.memory_space<semaphore_mem>>)
      %dma_wait3A_112 = arith.constant 0 : i32
      %dma_wait3A_113 = arith.constant 0 : i32
      %dma_wait3A_114 = tpu.memref_slice %arg4[%add3A, %dma_wait3A_112, %dma_wait3A_113] : memref<32x160x128xi32, #tpu.memory_space<hbm>> -> memref<1x160x128xi32, #tpu.memory_space<hbm>>
      %dma_wait3A_115 = tpu.memref_squeeze %dma_wait3A_114 : memref<1x160x128xi32, #tpu.memory_space<hbm>> -> memref<160x128xi32, #tpu.memory_space<hbm>>
      %dma_wait3A_116 = arith.constant 0 : i32
      %dma_wait3A_117 = arith.constant 0 : i32
      %dma_wait3A_118 = tpu.memref_slice %arg4[%add3A, %dma_wait3A_116, %dma_wait3A_117] : memref<32x160x128xi32, #tpu.memory_space<hbm>> -> memref<1x160x128xi32, #tpu.memory_space<hbm>>
      %dma_wait3A_119 = tpu.memref_squeeze %dma_wait3A_118 : memref<1x160x128xi32, #tpu.memory_space<hbm>> -> memref<160x128xi32, #tpu.memory_space<hbm>>
      tpu.wait_dma2 semaphore(%run_scoped3A : memref<!tpu.dma_semaphore, #tpu.memory_space<semaphore_mem>>) src(%dma_wait3A_119 : memref<160x128xi32, #tpu.memory_space<hbm>>) dst(%arg7 : memref<160x128xi32, #tpu.memory_space<vmem>>)
      tpu.yield
    }) : () -> ()
    %mul3A_3 = arith.constant 5120 : i32
    %mul3A_4 = arith.muli %arg0, %mul3A_3 : i32
    %add3A_5 = arith.constant 0 : i32
    %add3A_6 = arith.addi %add3A_5, %mul3A_4 : i32
    %add3A_7 = arith.addi %add3A_6, %mul3A_0 : i32
    "tpu.region"() ({
      %run_scoped3A = tpu.sem_alloc : memref<!tpu.dma_semaphore, #tpu.memory_space<semaphore_mem>>
      %dma_start3A_104 = arith.constant 0 : i32
      %dma_start3A_105 = tpu.memref_slice %arg9[%mul3A_0, %dma_start3A_104] : memref<5128x128xf32, #tpu.memory_space<vmem_shared>> -> memref<320x128xf32, #tpu.memory_space<vmem_shared>>
      %dma_start3A_106 = arith.constant 0 : i32
      %dma_start3A_107 = tpu.memref_slice %arg2[%add3A_7, %dma_start3A_106] : memref<20480x128xf32, #tpu.memory_space<hbm>> -> memref<320x128xf32, #tpu.memory_space<hbm>>
      tpu.enqueue_dma source(%dma_start3A_107 : memref<320x128xf32, #tpu.memory_space<hbm>>) target(%dma_start3A_105 : memref<320x128xf32, #tpu.memory_space<vmem_shared>>) target_semaphore(%run_scoped3A : memref<!tpu.dma_semaphore, #tpu.memory_space<semaphore_mem>>)
      %dma_wait3A_108 = arith.constant 0 : i32
      %dma_wait3A_109 = tpu.memref_slice %arg9[%mul3A_0, %dma_wait3A_108] : memref<5128x128xf32, #tpu.memory_space<vmem_shared>> -> memref<320x128xf32, #tpu.memory_space<vmem_shared>>
      %dma_wait3A_110 = arith.constant 0 : i32
      %dma_wait3A_111 = tpu.memref_slice %arg2[%add3A_7, %dma_wait3A_110] : memref<20480x128xf32, #tpu.memory_space<hbm>> -> memref<320x128xf32, #tpu.memory_space<hbm>>
      tpu.wait_dma2 semaphore(%run_scoped3A : memref<!tpu.dma_semaphore, #tpu.memory_space<semaphore_mem>>) src(%dma_wait3A_111 : memref<320x128xf32, #tpu.memory_space<hbm>>) dst(%dma_wait3A_109 : memref<320x128xf32, #tpu.memory_space<vmem_shared>>)
      tpu.yield
    }) : () -> ()
    %add3A_8 = arith.constant 0 : i32
    %add3A_9 = arith.addi %add3A_8, %arg1 : i32
    "tpu.region"() ({
      %run_scoped3A = tpu.sem_alloc : memref<!tpu.dma_semaphore, #tpu.memory_space<semaphore_mem>>
      %dma_start3A_104 = arith.constant 0 : i32
      %dma_start3A_105 = arith.constant 0 : i32
      %dma_start3A_106 = tpu.memref_slice %arg3[%add3A_9, %dma_start3A_104, %dma_start3A_105] : memref<32x160x128xi32, #tpu.memory_space<hbm>> -> memref<1x160x128xi32, #tpu.memory_space<hbm>>
      %dma_start3A_107 = tpu.memref_squeeze %dma_start3A_106 : memref<1x160x128xi32, #tpu.memory_space<hbm>> -> memref<160x128xi32, #tpu.memory_space<hbm>>
      %dma_start3A_108 = arith.constant 0 : i32
      %dma_start3A_109 = arith.constant 0 : i32
      %dma_start3A_110 = tpu.memref_slice %arg3[%add3A_9, %dma_start3A_108, %dma_start3A_109] : memref<32x160x128xi32, #tpu.memory_space<hbm>> -> memref<1x160x128xi32, #tpu.memory_space<hbm>>
      %dma_start3A_111 = tpu.memref_squeeze %dma_start3A_110 : memref<1x160x128xi32, #tpu.memory_space<hbm>> -> memref<160x128xi32, #tpu.memory_space<hbm>>
      tpu.enqueue_dma source(%dma_start3A_111 : memref<160x128xi32, #tpu.memory_space<hbm>>) target(%arg6 : memref<160x128xi32, #tpu.memory_space<vmem>>) target_semaphore(%run_scoped3A : memref<!tpu.dma_semaphore, #tpu.memory_space<semaphore_mem>>)
      %dma_wait3A_112 = arith.constant 0 : i32
      %dma_wait3A_113 = arith.constant 0 : i32
      %dma_wait3A_114 = tpu.memref_slice %arg3[%add3A_9, %dma_wait3A_112, %dma_wait3A_113] : memref<32x160x128xi32, #tpu.memory_space<hbm>> -> memref<1x160x128xi32, #tpu.memory_space<hbm>>
      %dma_wait3A_115 = tpu.memref_squeeze %dma_wait3A_114 : memref<1x160x128xi32, #tpu.memory_space<hbm>> -> memref<160x128xi32, #tpu.memory_space<hbm>>
      %dma_wait3A_116 = arith.constant 0 : i32
      %dma_wait3A_117 = arith.constant 0 : i32
      %dma_wait3A_118 = tpu.memref_slice %arg3[%add3A_9, %dma_wait3A_116, %dma_wait3A_117] : memref<32x160x128xi32, #tpu.memory_space<hbm>> -> memref<1x160x128xi32, #tpu.memory_space<hbm>>
      %dma_wait3A_119 = tpu.memref_squeeze %dma_wait3A_118 : memref<1x160x128xi32, #tpu.memory_space<hbm>> -> memref<160x128xi32, #tpu.memory_space<hbm>>
      tpu.wait_dma2 semaphore(%run_scoped3A : memref<!tpu.dma_semaphore, #tpu.memory_space<semaphore_mem>>) src(%dma_wait3A_119 : memref<160x128xi32, #tpu.memory_space<hbm>>) dst(%arg6 : memref<160x128xi32, #tpu.memory_space<vmem>>)
      tpu.yield
    }) : () -> ()
    %barrier3A = arith.constant 0 : index
    tpu.barrier barrier_id(%barrier3A)
    %dma_start3A = arith.constant 0 : i32
    %dma_start3A_10 = arith.constant 0 : i32
    %dma_start3A_11 = arith.constant 0 : i32
    %dma_start3A_12 = arith.constant 0 : i32
    %dma_start3A_13 = tpu.memref_slice %arg8[%dma_start3A_10, %dma_start3A_11, %dma_start3A_12] : memref<2x128x128xf32, #tpu.memory_space<vmem>> -> memref<1x128x128xf32, #tpu.memory_space<vmem>>
    %dma_start3A_14 = tpu.memref_squeeze %dma_start3A_13 : memref<1x128x128xf32, #tpu.memory_space<vmem>> -> memref<128x128xf32, #tpu.memory_space<vmem>>
    %dma_start3A_15 = arith.constant 0 : i32
    %dma_start3A_16 = tpu.memref_slice %arg6[%dma_start3A, %dma_start3A_15] : memref<160x128xi32, #tpu.memory_space<vmem>> -> memref<1x128xi32, #tpu.memory_space<vmem>>
    %dma_start3A_17 = tpu.memref_squeeze %dma_start3A_16 : memref<1x128xi32, #tpu.memory_space<vmem>> -> memref<128xi32, #tpu.memory_space<vmem>>
    %dma_start3A_18 = arith.constant 0 : i32
    %dma_start3A_19 = arith.constant 0 : i32
    %dma_start3A_20 = tpu.memref_slice %arg2[%dma_start3A_18, %dma_start3A_19] : memref<20480x128xf32, #tpu.memory_space<hbm>> -> memref<20480x128xf32, #tpu.memory_space<hbm>>
    tpu.enqueue_indirect_dma source(%dma_start3A_20 : memref<20480x128xf32, #tpu.memory_space<hbm>>) target(%dma_start3A_14 : memref<128x128xf32, #tpu.memory_space<vmem>>) offsets(%dma_start3A_17 : memref<128xi32, #tpu.memory_space<vmem>>) semaphore(%arg10 : memref<!tpu.dma_semaphore, #tpu.memory_space<semaphore_mem>>)
    %scan3A = arith.constant 0 : i32
    %scan3A_21 = arith.constant 80 : i32
    %scan3A_22 = arith.addi %scan3A, %scan3A_21 : i32
    %scan3A_23 = arith.constant 1 : i32
    scf.for %scan3A_104 = %scan3A to %scan3A_22 step %scan3A_23  : i32 {
      %mul3A_105 = arith.constant 2 : i32
      %mul3A_106 = arith.muli %scan3A_104, %mul3A_105 : i32
      %add3A_107 = arith.constant 0 : i32
      %add3A_108 = arith.addi %add3A_107, %mul3A_106 : i32
      %add3A_109 = arith.constant 0 : i32
      %add3A_110 = arith.addi %add3A_108, %add3A_109 : i32
      %add3A_111 = arith.constant 1 : i32
      %add3A_112 = arith.addi %add3A_110, %add3A_111 : i32
      %lt3A = arith.constant 160 : i32
      %lt3A_113 = arith.cmpi slt, %add3A_112, %lt3A : i32
      %convert_element_type3A = arith.extui %lt3A_113 : i1 to i32
      %cond3A = arith.constant 0 : i32
      %cond3A_114 = arith.cmpi ne, %convert_element_type3A, %cond3A : i32
      scf.if %cond3A_114 {
        %ge3A = arith.constant 1 : i32
        %ge3A_170 = arith.cmpi sge, %add3A_110, %ge3A : i32
        %convert_element_type3A_171 = arith.extui %ge3A_170 : i1 to i32
        %cond3A_172 = arith.constant 0 : i32
        %cond3A_173 = arith.cmpi ne, %convert_element_type3A_171, %cond3A_172 : i32
        scf.if %cond3A_173 {
          %dma_wait3A_187 = arith.constant 1 : i32
          %dma_wait3A_188 = arith.constant 0 : i32
          %dma_wait3A_189 = arith.constant 0 : i32
          %dma_wait3A_190 = arith.constant 0 : i32
          %dma_wait3A_191 = tpu.memref_slice %arg8[%dma_wait3A_187, %dma_wait3A_189, %dma_wait3A_190] : memref<2x128x128xf32, #tpu.memory_space<vmem>> -> memref<1x128x128xf32, #tpu.memory_space<vmem>>
          %dma_wait3A_192 = tpu.memref_squeeze %dma_wait3A_191 : memref<1x128x128xf32, #tpu.memory_space<vmem>> -> memref<128x128xf32, #tpu.memory_space<vmem>>
          %dma_wait3A_193 = arith.constant 0 : i32
          %dma_wait3A_194 = tpu.memref_slice %arg7[%dma_wait3A_188, %dma_wait3A_193] : memref<160x128xi32, #tpu.memory_space<vmem>> -> memref<1x128xi32, #tpu.memory_space<vmem>>
          %dma_wait3A_195 = tpu.memref_squeeze %dma_wait3A_194 : memref<1x128xi32, #tpu.memory_space<vmem>> -> memref<128xi32, #tpu.memory_space<vmem>>
          %dma_wait3A_196 = arith.constant 0 : i32
          %dma_wait3A_197 = arith.constant 0 : i32
          %dma_wait3A_198 = tpu.memref_slice %arg9[%dma_wait3A_196, %dma_wait3A_197] : memref<5128x128xf32, #tpu.memory_space<vmem_shared>> -> memref<5128x128xf32, #tpu.memory_space<vmem_shared>>
          tpu.wait_indirect_dma semaphore(%arg13 : memref<!tpu.dma_semaphore, #tpu.memory_space<semaphore_mem>>) src(%dma_wait3A_192 : memref<128x128xf32, #tpu.memory_space<vmem>>) dst(%dma_wait3A_198 : memref<5128x128xf32, #tpu.memory_space<vmem_shared>>)
        } else {
        }
        %add3A_174 = arith.constant 1 : i32
        %add3A_175 = arith.addi %add3A_110, %add3A_174 : i32
        %dma_start3A_176 = arith.constant 1 : i32
        %dma_start3A_177 = arith.constant 0 : i32
        %dma_start3A_178 = arith.constant 0 : i32
        %dma_start3A_179 = tpu.memref_slice %arg8[%dma_start3A_176, %dma_start3A_177, %dma_start3A_178] : memref<2x128x128xf32, #tpu.memory_space<vmem>> -> memref<1x128x128xf32, #tpu.memory_space<vmem>>
        %dma_start3A_180 = tpu.memref_squeeze %dma_start3A_179 : memref<1x128x128xf32, #tpu.memory_space<vmem>> -> memref<128x128xf32, #tpu.memory_space<vmem>>
        %dma_start3A_181 = arith.constant 0 : i32
        %dma_start3A_182 = tpu.memref_slice %arg6[%add3A_175, %dma_start3A_181] : memref<160x128xi32, #tpu.memory_space<vmem>> -> memref<1x128xi32, #tpu.memory_space<vmem>>
        %dma_start3A_183 = tpu.memref_squeeze %dma_start3A_182 : memref<1x128xi32, #tpu.memory_space<vmem>> -> memref<128xi32, #tpu.memory_space<vmem>>
        %dma_start3A_184 = arith.constant 0 : i32
        %dma_start3A_185 = arith.constant 0 : i32
        %dma_start3A_186 = tpu.memref_slice %arg2[%dma_start3A_184, %dma_start3A_185] : memref<20480x128xf32, #tpu.memory_space<hbm>> -> memref<20480x128xf32, #tpu.memory_space<hbm>>
        tpu.enqueue_indirect_dma source(%dma_start3A_186 : memref<20480x128xf32, #tpu.memory_space<hbm>>) target(%dma_start3A_180 : memref<128x128xf32, #tpu.memory_space<vmem>>) offsets(%dma_start3A_183 : memref<128xi32, #tpu.memory_space<vmem>>) semaphore(%arg11 : memref<!tpu.dma_semaphore, #tpu.memory_space<semaphore_mem>>)
      } else {
      }
      %dma_wait3A_115 = arith.constant 0 : i32
      %dma_wait3A_116 = arith.constant 0 : i32
      %dma_wait3A_117 = arith.constant 0 : i32
      %dma_wait3A_118 = arith.constant 0 : i32
      %dma_wait3A_119 = tpu.memref_slice %arg8[%dma_wait3A_116, %dma_wait3A_117, %dma_wait3A_118] : memref<2x128x128xf32, #tpu.memory_space<vmem>> -> memref<1x128x128xf32, #tpu.memory_space<vmem>>
      %dma_wait3A_120 = tpu.memref_squeeze %dma_wait3A_119 : memref<1x128x128xf32, #tpu.memory_space<vmem>> -> memref<128x128xf32, #tpu.memory_space<vmem>>
      %dma_wait3A_121 = arith.constant 0 : i32
      %dma_wait3A_122 = tpu.memref_slice %arg6[%dma_wait3A_115, %dma_wait3A_121] : memref<160x128xi32, #tpu.memory_space<vmem>> -> memref<1x128xi32, #tpu.memory_space<vmem>>
      %dma_wait3A_123 = tpu.memref_squeeze %dma_wait3A_122 : memref<1x128xi32, #tpu.memory_space<vmem>> -> memref<128xi32, #tpu.memory_space<vmem>>
      %dma_wait3A_124 = arith.constant 0 : i32
      %dma_wait3A_125 = arith.constant 0 : i32
      %dma_wait3A_126 = tpu.memref_slice %arg2[%dma_wait3A_124, %dma_wait3A_125] : memref<20480x128xf32, #tpu.memory_space<hbm>> -> memref<20480x128xf32, #tpu.memory_space<hbm>>
      tpu.wait_indirect_dma semaphore(%arg10 : memref<!tpu.dma_semaphore, #tpu.memory_space<semaphore_mem>>) src(%dma_wait3A_126 : memref<20480x128xf32, #tpu.memory_space<hbm>>) dst(%dma_wait3A_120 : memref<128x128xf32, #tpu.memory_space<vmem>>)
      %dma_start3A_127 = arith.constant 0 : i32
      %dma_start3A_128 = arith.constant 0 : i32
      %dma_start3A_129 = arith.constant 0 : i32
      %dma_start3A_130 = tpu.memref_slice %arg8[%dma_start3A_127, %dma_start3A_128, %dma_start3A_129] : memref<2x128x128xf32, #tpu.memory_space<vmem>> -> memref<1x128x128xf32, #tpu.memory_space<vmem>>
      %dma_start3A_131 = tpu.memref_squeeze %dma_start3A_130 : memref<1x128x128xf32, #tpu.memory_space<vmem>> -> memref<128x128xf32, #tpu.memory_space<vmem>>
      %dma_start3A_132 = arith.constant 0 : i32
      %dma_start3A_133 = tpu.memref_slice %arg7[%add3A_110, %dma_start3A_132] : memref<160x128xi32, #tpu.memory_space<vmem>> -> memref<1x128xi32, #tpu.memory_space<vmem>>
      %dma_start3A_134 = tpu.memref_squeeze %dma_start3A_133 : memref<1x128xi32, #tpu.memory_space<vmem>> -> memref<128xi32, #tpu.memory_space<vmem>>
      %dma_start3A_135 = arith.constant 0 : i32
      %dma_start3A_136 = arith.constant 0 : i32
      %dma_start3A_137 = tpu.memref_slice %arg9[%dma_start3A_135, %dma_start3A_136] : memref<5128x128xf32, #tpu.memory_space<vmem_shared>> -> memref<5128x128xf32, #tpu.memory_space<vmem_shared>>
      tpu.enqueue_indirect_dma source(%dma_start3A_131 : memref<128x128xf32, #tpu.memory_space<vmem>>) target(%dma_start3A_137 : memref<5128x128xf32, #tpu.memory_space<vmem_shared>>) offsets(%dma_start3A_134 : memref<128xi32, #tpu.memory_space<vmem>>) semaphore(%arg12 : memref<!tpu.dma_semaphore, #tpu.memory_space<semaphore_mem>>) {add = true}
      %add3A_138 = arith.constant 1 : i32
      %add3A_139 = arith.addi %add3A_108, %add3A_138 : i32
      %add3A_140 = arith.constant 1 : i32
      %add3A_141 = arith.addi %add3A_139, %add3A_140 : i32
      %lt3A_142 = arith.constant 160 : i32
      %lt3A_143 = arith.cmpi slt, %add3A_141, %lt3A_142 : i32
      %convert_element_type3A_144 = arith.extui %lt3A_143 : i1 to i32
      %cond3A_145 = arith.constant 0 : i32
      %cond3A_146 = arith.cmpi ne, %convert_element_type3A_144, %cond3A_145 : i32
      scf.if %cond3A_146 {
        %ge3A = arith.constant 1 : i32
        %ge3A_170 = arith.cmpi sge, %add3A_139, %ge3A : i32
        %convert_element_type3A_171 = arith.extui %ge3A_170 : i1 to i32
        %cond3A_172 = arith.constant 0 : i32
        %cond3A_173 = arith.cmpi ne, %convert_element_type3A_171, %cond3A_172 : i32
        scf.if %cond3A_173 {
          %dma_wait3A_187 = arith.constant 0 : i32
          %dma_wait3A_188 = arith.constant 0 : i32
          %dma_wait3A_189 = arith.constant 0 : i32
          %dma_wait3A_190 = arith.constant 0 : i32
          %dma_wait3A_191 = tpu.memref_slice %arg8[%dma_wait3A_187, %dma_wait3A_189, %dma_wait3A_190] : memref<2x128x128xf32, #tpu.memory_space<vmem>> -> memref<1x128x128xf32, #tpu.memory_space<vmem>>
          %dma_wait3A_192 = tpu.memref_squeeze %dma_wait3A_191 : memref<1x128x128xf32, #tpu.memory_space<vmem>> -> memref<128x128xf32, #tpu.memory_space<vmem>>
          %dma_wait3A_193 = arith.constant 0 : i32
          %dma_wait3A_194 = tpu.memref_slice %arg7[%dma_wait3A_188, %dma_wait3A_193] : memref<160x128xi32, #tpu.memory_space<vmem>> -> memref<1x128xi32, #tpu.memory_space<vmem>>
          %dma_wait3A_195 = tpu.memref_squeeze %dma_wait3A_194 : memref<1x128xi32, #tpu.memory_space<vmem>> -> memref<128xi32, #tpu.memory_space<vmem>>
          %dma_wait3A_196 = arith.constant 0 : i32
          %dma_wait3A_197 = arith.constant 0 : i32
          %dma_wait3A_198 = tpu.memref_slice %arg9[%dma_wait3A_196, %dma_wait3A_197] : memref<5128x128xf32, #tpu.memory_space<vmem_shared>> -> memref<5128x128xf32, #tpu.memory_space<vmem_shared>>
          tpu.wait_indirect_dma semaphore(%arg12 : memref<!tpu.dma_semaphore, #tpu.memory_space<semaphore_mem>>) src(%dma_wait3A_192 : memref<128x128xf32, #tpu.memory_space<vmem>>) dst(%dma_wait3A_198 : memref<5128x128xf32, #tpu.memory_space<vmem_shared>>)
        } else {
        }
        %add3A_174 = arith.constant 1 : i32
        %add3A_175 = arith.addi %add3A_139, %add3A_174 : i32
        %dma_start3A_176 = arith.constant 0 : i32
        %dma_start3A_177 = arith.constant 0 : i32
        %dma_start3A_178 = arith.constant 0 : i32
        %dma_start3A_179 = tpu.memref_slice %arg8[%dma_start3A_176, %dma_start3A_177, %dma_start3A_178] : memref<2x128x128xf32, #tpu.memory_space<vmem>> -> memref<1x128x128xf32, #tpu.memory_space<vmem>>
        %dma_start3A_180 = tpu.memref_squeeze %dma_start3A_179 : memref<1x128x128xf32, #tpu.memory_space<vmem>> -> memref<128x128xf32, #tpu.memory_space<vmem>>
        %dma_start3A_181 = arith.constant 0 : i32
        %dma_start3A_182 = tpu.memref_slice %arg6[%add3A_175, %dma_start3A_181] : memref<160x128xi32, #tpu.memory_space<vmem>> -> memref<1x128xi32, #tpu.memory_space<vmem>>
        %dma_start3A_183 = tpu.memref_squeeze %dma_start3A_182 : memref<1x128xi32, #tpu.memory_space<vmem>> -> memref<128xi32, #tpu.memory_space<vmem>>
        %dma_start3A_184 = arith.constant 0 : i32
        %dma_start3A_185 = arith.constant 0 : i32
        %dma_start3A_186 = tpu.memref_slice %arg2[%dma_start3A_184, %dma_start3A_185] : memref<20480x128xf32, #tpu.memory_space<hbm>> -> memref<20480x128xf32, #tpu.memory_space<hbm>>
        tpu.enqueue_indirect_dma source(%dma_start3A_186 : memref<20480x128xf32, #tpu.memory_space<hbm>>) target(%dma_start3A_180 : memref<128x128xf32, #tpu.memory_space<vmem>>) offsets(%dma_start3A_183 : memref<128xi32, #tpu.memory_space<vmem>>) semaphore(%arg10 : memref<!tpu.dma_semaphore, #tpu.memory_space<semaphore_mem>>)
      } else {
      }
      %dma_wait3A_147 = arith.constant 0 : i32
      %dma_wait3A_148 = arith.constant 1 : i32
      %dma_wait3A_149 = arith.constant 0 : i32
      %dma_wait3A_150 = arith.constant 0 : i32
      %dma_wait3A_151 = tpu.memref_slice %arg8[%dma_wait3A_148, %dma_wait3A_149, %dma_wait3A_150] : memref<2x128x128xf32, #tpu.memory_space<vmem>> -> memref<1x128x128xf32, #tpu.memory_space<vmem>>
      %dma_wait3A_152 = tpu.memref_squeeze %dma_wait3A_151 : memref<1x128x128xf32, #tpu.memory_space<vmem>> -> memref<128x128xf32, #tpu.memory_space<vmem>>
      %dma_wait3A_153 = arith.constant 0 : i32
      %dma_wait3A_154 = tpu.memref_slice %arg6[%dma_wait3A_147, %dma_wait3A_153] : memref<160x128xi32, #tpu.memory_space<vmem>> -> memref<1x128xi32, #tpu.memory_space<vmem>>
      %dma_wait3A_155 = tpu.memref_squeeze %dma_wait3A_154 : memref<1x128xi32, #tpu.memory_space<vmem>> -> memref<128xi32, #tpu.memory_space<vmem>>
      %dma_wait3A_156 = arith.constant 0 : i32
      %dma_wait3A_157 = arith.constant 0 : i32
      %dma_wait3A_158 = tpu.memref_slice %arg2[%dma_wait3A_156, %dma_wait3A_157] : memref<20480x128xf32, #tpu.memory_space<hbm>> -> memref<20480x128xf32, #tpu.memory_space<hbm>>
      tpu.wait_indirect_dma semaphore(%arg11 : memref<!tpu.dma_semaphore, #tpu.memory_space<semaphore_mem>>) src(%dma_wait3A_158 : memref<20480x128xf32, #tpu.memory_space<hbm>>) dst(%dma_wait3A_152 : memref<128x128xf32, #tpu.memory_space<vmem>>)
      %dma_start3A_159 = arith.constant 1 : i32
      %dma_start3A_160 = arith.constant 0 : i32
      %dma_start3A_161 = arith.constant 0 : i32
      %dma_start3A_162 = tpu.memref_slice %arg8[%dma_start3A_159, %dma_start3A_160, %dma_start3A_161] : memref<2x128x128xf32, #tpu.memory_space<vmem>> -> memref<1x128x128xf32, #tpu.memory_space<vmem>>
      %dma_start3A_163 = tpu.memref_squeeze %dma_start3A_162 : memref<1x128x128xf32, #tpu.memory_space<vmem>> -> memref<128x128xf32, #tpu.memory_space<vmem>>
      %dma_start3A_164 = arith.constant 0 : i32
      %dma_start3A_165 = tpu.memref_slice %arg7[%add3A_139, %dma_start3A_164] : memref<160x128xi32, #tpu.memory_space<vmem>> -> memref<1x128xi32, #tpu.memory_space<vmem>>
      %dma_start3A_166 = tpu.memref_squeeze %dma_start3A_165 : memref<1x128xi32, #tpu.memory_space<vmem>> -> memref<128xi32, #tpu.memory_space<vmem>>
      %dma_start3A_167 = arith.constant 0 : i32
      %dma_start3A_168 = arith.constant 0 : i32
      %dma_start3A_169 = tpu.memref_slice %arg9[%dma_start3A_167, %dma_start3A_168] : memref<5128x128xf32, #tpu.memory_space<vmem_shared>> -> memref<5128x128xf32, #tpu.memory_space<vmem_shared>>
      tpu.enqueue_indirect_dma source(%dma_start3A_163 : memref<128x128xf32, #tpu.memory_space<vmem>>) target(%dma_start3A_169 : memref<5128x128xf32, #tpu.memory_space<vmem_shared>>) offsets(%dma_start3A_166 : memref<128xi32, #tpu.memory_space<vmem>>) semaphore(%arg13 : memref<!tpu.dma_semaphore, #tpu.memory_space<semaphore_mem>>) {add = true}
    }
    %scan3A_24 = arith.constant 80 : i32
    %dma_wait3A = arith.constant 0 : i32
    %dma_wait3A_25 = arith.constant 0 : i32
    %dma_wait3A_26 = arith.constant 0 : i32
    %dma_wait3A_27 = arith.constant 0 : i32
    %dma_wait3A_28 = tpu.memref_slice %arg8[%dma_wait3A, %dma_wait3A_26, %dma_wait3A_27] : memref<2x128x128xf32, #tpu.memory_space<vmem>> -> memref<1x128x128xf32, #tpu.memory_space<vmem>>
    %dma_wait3A_29 = tpu.memref_squeeze %dma_wait3A_28 : memref<1x128x128xf32, #tpu.memory_space<vmem>> -> memref<128x128xf32, #tpu.memory_space<vmem>>
    %dma_wait3A_30 = arith.constant 0 : i32
    %dma_wait3A_31 = tpu.memref_slice %arg7[%dma_wait3A_25, %dma_wait3A_30] : memref<160x128xi32, #tpu.memory_space<vmem>> -> memref<1x128xi32, #tpu.memory_space<vmem>>
    %dma_wait3A_32 = tpu.memref_squeeze %dma_wait3A_31 : memref<1x128xi32, #tpu.memory_space<vmem>> -> memref<128xi32, #tpu.memory_space<vmem>>
    %dma_wait3A_33 = arith.constant 0 : i32
    %dma_wait3A_34 = arith.constant 0 : i32
    %dma_wait3A_35 = tpu.memref_slice %arg9[%dma_wait3A_33, %dma_wait3A_34] : memref<5128x128xf32, #tpu.memory_space<vmem_shared>> -> memref<5128x128xf32, #tpu.memory_space<vmem_shared>>
    tpu.wait_indirect_dma semaphore(%arg12 : memref<!tpu.dma_semaphore, #tpu.memory_space<semaphore_mem>>) src(%dma_wait3A_29 : memref<128x128xf32, #tpu.memory_space<vmem>>) dst(%dma_wait3A_35 : memref<5128x128xf32, #tpu.memory_space<vmem_shared>>)
    %dma_wait3A_36 = arith.constant 1 : i32
    %dma_wait3A_37 = arith.constant 0 : i32
    %dma_wait3A_38 = arith.constant 0 : i32
    %dma_wait3A_39 = arith.constant 0 : i32
    %dma_wait3A_40 = tpu.memref_slice %arg8[%dma_wait3A_36, %dma_wait3A_38, %dma_wait3A_39] : memref<2x128x128xf32, #tpu.memory_space<vmem>> -> memref<1x128x128xf32, #tpu.memory_space<vmem>>
    %dma_wait3A_41 = tpu.memref_squeeze %dma_wait3A_40 : memref<1x128x128xf32, #tpu.memory_space<vmem>> -> memref<128x128xf32, #tpu.memory_space<vmem>>
    %dma_wait3A_42 = arith.constant 0 : i32
    %dma_wait3A_43 = tpu.memref_slice %arg7[%dma_wait3A_37, %dma_wait3A_42] : memref<160x128xi32, #tpu.memory_space<vmem>> -> memref<1x128xi32, #tpu.memory_space<vmem>>
    %dma_wait3A_44 = tpu.memref_squeeze %dma_wait3A_43 : memref<1x128xi32, #tpu.memory_space<vmem>> -> memref<128xi32, #tpu.memory_space<vmem>>
    %dma_wait3A_45 = arith.constant 0 : i32
    %dma_wait3A_46 = arith.constant 0 : i32
    %dma_wait3A_47 = tpu.memref_slice %arg9[%dma_wait3A_45, %dma_wait3A_46] : memref<5128x128xf32, #tpu.memory_space<vmem_shared>> -> memref<5128x128xf32, #tpu.memory_space<vmem_shared>>
    tpu.wait_indirect_dma semaphore(%arg13 : memref<!tpu.dma_semaphore, #tpu.memory_space<semaphore_mem>>) src(%dma_wait3A_41 : memref<128x128xf32, #tpu.memory_space<vmem>>) dst(%dma_wait3A_47 : memref<5128x128xf32, #tpu.memory_space<vmem_shared>>)
    %barrier3A_48 = arith.constant 0 : index
    tpu.barrier barrier_id(%barrier3A_48)
    %add3A_49 = arith.constant 0 : i32
    %add3A_50 = arith.addi %add3A_49, %arg0 : i32
    "tpu.region"() ({
      %run_scoped3A = tpu.sem_alloc : memref<!tpu.dma_semaphore, #tpu.memory_space<semaphore_mem>>
      %dma_start3A_104 = arith.constant 0 : i32
      %dma_start3A_105 = tpu.memref_slice %arg5[%add3A_50, %mul3A_0, %dma_start3A_104] : memref<4x5120x128xf32, #tpu.memory_space<hbm>> -> memref<1x320x128xf32, #tpu.memory_space<hbm>>
      %dma_start3A_106 = tpu.memref_squeeze %dma_start3A_105 : memref<1x320x128xf32, #tpu.memory_space<hbm>> -> memref<320x128xf32, #tpu.memory_space<hbm>>
      %dma_start3A_107 = arith.constant 0 : i32
      %dma_start3A_108 = tpu.memref_slice %arg9[%mul3A_0, %dma_start3A_107] : memref<5128x128xf32, #tpu.memory_space<vmem_shared>> -> memref<320x128xf32, #tpu.memory_space<vmem_shared>>
      tpu.enqueue_dma source(%dma_start3A_108 : memref<320x128xf32, #tpu.memory_space<vmem_shared>>) target(%dma_start3A_106 : memref<320x128xf32, #tpu.memory_space<hbm>>) target_semaphore(%run_scoped3A : memref<!tpu.dma_semaphore, #tpu.memory_space<semaphore_mem>>)
      %dma_wait3A_109 = arith.constant 0 : i32
      %dma_wait3A_110 = tpu.memref_slice %arg5[%add3A_50, %mul3A_0, %dma_wait3A_109] : memref<4x5120x128xf32, #tpu.memory_space<hbm>> -> memref<1x320x128xf32, #tpu.memory_space<hbm>>
      %dma_wait3A_111 = tpu.memref_squeeze %dma_wait3A_110 : memref<1x320x128xf32, #tpu.memory_space<hbm>> -> memref<320x128xf32, #tpu.memory_space<hbm>>
      %dma_wait3A_112 = arith.constant 0 : i32
      %dma_wait3A_113 = tpu.memref_slice %arg9[%mul3A_0, %dma_wait3A_112] : memref<5128x128xf32, #tpu.memory_space<vmem_shared>> -> memref<320x128xf32, #tpu.memory_space<vmem_shared>>
      tpu.wait_dma2 semaphore(%run_scoped3A : memref<!tpu.dma_semaphore, #tpu.memory_space<semaphore_mem>>) src(%dma_wait3A_113 : memref<320x128xf32, #tpu.memory_space<vmem_shared>>) dst(%dma_wait3A_111 : memref<320x128xf32, #tpu.memory_space<hbm>>)
      tpu.yield
    }) : () -> ()
    %barrier3A_51 = arith.constant 0 : index
    tpu.barrier barrier_id(%barrier3A_51)
    %mul3A_52 = arith.constant 5120 : i32
    %mul3A_53 = arith.muli %arg0, %mul3A_52 : i32
    %add3A_54 = arith.constant 10240 : i32
    %add3A_55 = arith.addi %add3A_54, %mul3A_53 : i32
    %add3A_56 = arith.addi %add3A_55, %mul3A_0 : i32
    "tpu.region"() ({
      %run_scoped3A = tpu.sem_alloc : memref<!tpu.dma_semaphore, #tpu.memory_space<semaphore_mem>>
      %dma_start3A_104 = arith.constant 0 : i32
      %dma_start3A_105 = tpu.memref_slice %arg9[%mul3A_0, %dma_start3A_104] : memref<5128x128xf32, #tpu.memory_space<vmem_shared>> -> memref<320x128xf32, #tpu.memory_space<vmem_shared>>
      %dma_start3A_106 = arith.constant 0 : i32
      %dma_start3A_107 = tpu.memref_slice %arg2[%add3A_56, %dma_start3A_106] : memref<20480x128xf32, #tpu.memory_space<hbm>> -> memref<320x128xf32, #tpu.memory_space<hbm>>
      tpu.enqueue_dma source(%dma_start3A_107 : memref<320x128xf32, #tpu.memory_space<hbm>>) target(%dma_start3A_105 : memref<320x128xf32, #tpu.memory_space<vmem_shared>>) target_semaphore(%run_scoped3A : memref<!tpu.dma_semaphore, #tpu.memory_space<semaphore_mem>>)
      %dma_wait3A_108 = arith.constant 0 : i32
      %dma_wait3A_109 = tpu.memref_slice %arg9[%mul3A_0, %dma_wait3A_108] : memref<5128x128xf32, #tpu.memory_space<vmem_shared>> -> memref<320x128xf32, #tpu.memory_space<vmem_shared>>
      %dma_wait3A_110 = arith.constant 0 : i32
      %dma_wait3A_111 = tpu.memref_slice %arg2[%add3A_56, %dma_wait3A_110] : memref<20480x128xf32, #tpu.memory_space<hbm>> -> memref<320x128xf32, #tpu.memory_space<hbm>>
      tpu.wait_dma2 semaphore(%run_scoped3A : memref<!tpu.dma_semaphore, #tpu.memory_space<semaphore_mem>>) src(%dma_wait3A_111 : memref<320x128xf32, #tpu.memory_space<hbm>>) dst(%dma_wait3A_109 : memref<320x128xf32, #tpu.memory_space<vmem_shared>>)
      tpu.yield
    }) : () -> ()
    %add3A_57 = arith.constant 16 : i32
    %add3A_58 = arith.addi %add3A_57, %arg1 : i32
    "tpu.region"() ({
      %run_scoped3A = tpu.sem_alloc : memref<!tpu.dma_semaphore, #tpu.memory_space<semaphore_mem>>
      %dma_start3A_104 = arith.constant 0 : i32
      %dma_start3A_105 = arith.constant 0 : i32
      %dma_start3A_106 = tpu.memref_slice %arg3[%add3A_58, %dma_start3A_104, %dma_start3A_105] : memref<32x160x128xi32, #tpu.memory_space<hbm>> -> memref<1x160x128xi32, #tpu.memory_space<hbm>>
      %dma_start3A_107 = tpu.memref_squeeze %dma_start3A_106 : memref<1x160x128xi32, #tpu.memory_space<hbm>> -> memref<160x128xi32, #tpu.memory_space<hbm>>
      %dma_start3A_108 = arith.constant 0 : i32
      %dma_start3A_109 = arith.constant 0 : i32
      %dma_start3A_110 = tpu.memref_slice %arg3[%add3A_58, %dma_start3A_108, %dma_start3A_109] : memref<32x160x128xi32, #tpu.memory_space<hbm>> -> memref<1x160x128xi32, #tpu.memory_space<hbm>>
      %dma_start3A_111 = tpu.memref_squeeze %dma_start3A_110 : memref<1x160x128xi32, #tpu.memory_space<hbm>> -> memref<160x128xi32, #tpu.memory_space<hbm>>
      tpu.enqueue_dma source(%dma_start3A_111 : memref<160x128xi32, #tpu.memory_space<hbm>>) target(%arg6 : memref<160x128xi32, #tpu.memory_space<vmem>>) target_semaphore(%run_scoped3A : memref<!tpu.dma_semaphore, #tpu.memory_space<semaphore_mem>>)
      %dma_wait3A_112 = arith.constant 0 : i32
      %dma_wait3A_113 = arith.constant 0 : i32
      %dma_wait3A_114 = tpu.memref_slice %arg3[%add3A_58, %dma_wait3A_112, %dma_wait3A_113] : memref<32x160x128xi32, #tpu.memory_space<hbm>> -> memref<1x160x128xi32, #tpu.memory_space<hbm>>
      %dma_wait3A_115 = tpu.memref_squeeze %dma_wait3A_114 : memref<1x160x128xi32, #tpu.memory_space<hbm>> -> memref<160x128xi32, #tpu.memory_space<hbm>>
      %dma_wait3A_116 = arith.constant 0 : i32
      %dma_wait3A_117 = arith.constant 0 : i32
      %dma_wait3A_118 = tpu.memref_slice %arg3[%add3A_58, %dma_wait3A_116, %dma_wait3A_117] : memref<32x160x128xi32, #tpu.memory_space<hbm>> -> memref<1x160x128xi32, #tpu.memory_space<hbm>>
      %dma_wait3A_119 = tpu.memref_squeeze %dma_wait3A_118 : memref<1x160x128xi32, #tpu.memory_space<hbm>> -> memref<160x128xi32, #tpu.memory_space<hbm>>
      tpu.wait_dma2 semaphore(%run_scoped3A : memref<!tpu.dma_semaphore, #tpu.memory_space<semaphore_mem>>) src(%dma_wait3A_119 : memref<160x128xi32, #tpu.memory_space<hbm>>) dst(%arg6 : memref<160x128xi32, #tpu.memory_space<vmem>>)
      tpu.yield
    }) : () -> ()
    %barrier3A_59 = arith.constant 0 : index
    tpu.barrier barrier_id(%barrier3A_59)
    %dma_start3A_60 = arith.constant 0 : i32
    %dma_start3A_61 = arith.constant 0 : i32
    %dma_start3A_62 = arith.constant 0 : i32
    %dma_start3A_63 = arith.constant 0 : i32
    %dma_start3A_64 = tpu.memref_slice %arg8[%dma_start3A_61, %dma_start3A_62, %dma_start3A_63] : memref<2x128x128xf32, #tpu.memory_space<vmem>> -> memref<1x128x128xf32, #tpu.memory_space<vmem>>
    %dma_start3A_65 = tpu.memref_squeeze %dma_start3A_64 : memref<1x128x128xf32, #tpu.memory_space<vmem>> -> memref<128x128xf32, #tpu.memory_space<vmem>>
    %dma_start3A_66 = arith.constant 0 : i32
    %dma_start3A_67 = tpu.memref_slice %arg6[%dma_start3A_60, %dma_start3A_66] : memref<160x128xi32, #tpu.memory_space<vmem>> -> memref<1x128xi32, #tpu.memory_space<vmem>>
    %dma_start3A_68 = tpu.memref_squeeze %dma_start3A_67 : memref<1x128xi32, #tpu.memory_space<vmem>> -> memref<128xi32, #tpu.memory_space<vmem>>
    %dma_start3A_69 = arith.constant 0 : i32
    %dma_start3A_70 = arith.constant 0 : i32
    %dma_start3A_71 = tpu.memref_slice %arg2[%dma_start3A_69, %dma_start3A_70] : memref<20480x128xf32, #tpu.memory_space<hbm>> -> memref<20480x128xf32, #tpu.memory_space<hbm>>
    tpu.enqueue_indirect_dma source(%dma_start3A_71 : memref<20480x128xf32, #tpu.memory_space<hbm>>) target(%dma_start3A_65 : memref<128x128xf32, #tpu.memory_space<vmem>>) offsets(%dma_start3A_68 : memref<128xi32, #tpu.memory_space<vmem>>) semaphore(%arg10 : memref<!tpu.dma_semaphore, #tpu.memory_space<semaphore_mem>>)
    %scan3A_72 = arith.constant 0 : i32
    %scan3A_73 = arith.constant 80 : i32
    %scan3A_74 = arith.addi %scan3A_72, %scan3A_73 : i32
    %scan3A_75 = arith.constant 1 : i32
    scf.for %scan3A_104 = %scan3A_72 to %scan3A_74 step %scan3A_75  : i32 {
      %mul3A_105 = arith.constant 2 : i32
      %mul3A_106 = arith.muli %scan3A_104, %mul3A_105 : i32
      %add3A_107 = arith.constant 0 : i32
      %add3A_108 = arith.addi %add3A_107, %mul3A_106 : i32
      %add3A_109 = arith.constant 0 : i32
      %add3A_110 = arith.addi %add3A_108, %add3A_109 : i32
      %add3A_111 = arith.constant 1 : i32
      %add3A_112 = arith.addi %add3A_110, %add3A_111 : i32
      %lt3A = arith.constant 160 : i32
      %lt3A_113 = arith.cmpi slt, %add3A_112, %lt3A : i32
      %convert_element_type3A = arith.extui %lt3A_113 : i1 to i32
      %cond3A = arith.constant 0 : i32
      %cond3A_114 = arith.cmpi ne, %convert_element_type3A, %cond3A : i32
      scf.if %cond3A_114 {
        %ge3A = arith.constant 1 : i32
        %ge3A_170 = arith.cmpi sge, %add3A_110, %ge3A : i32
        %convert_element_type3A_171 = arith.extui %ge3A_170 : i1 to i32
        %cond3A_172 = arith.constant 0 : i32
        %cond3A_173 = arith.cmpi ne, %convert_element_type3A_171, %cond3A_172 : i32
        scf.if %cond3A_173 {
          %dma_wait3A_187 = arith.constant 1 : i32
          %dma_wait3A_188 = arith.constant 0 : i32
          %dma_wait3A_189 = arith.constant 0 : i32
          %dma_wait3A_190 = arith.constant 0 : i32
          %dma_wait3A_191 = tpu.memref_slice %arg8[%dma_wait3A_187, %dma_wait3A_189, %dma_wait3A_190] : memref<2x128x128xf32, #tpu.memory_space<vmem>> -> memref<1x128x128xf32, #tpu.memory_space<vmem>>
          %dma_wait3A_192 = tpu.memref_squeeze %dma_wait3A_191 : memref<1x128x128xf32, #tpu.memory_space<vmem>> -> memref<128x128xf32, #tpu.memory_space<vmem>>
          %dma_wait3A_193 = arith.constant 0 : i32
          %dma_wait3A_194 = tpu.memref_slice %arg7[%dma_wait3A_188, %dma_wait3A_193] : memref<160x128xi32, #tpu.memory_space<vmem>> -> memref<1x128xi32, #tpu.memory_space<vmem>>
          %dma_wait3A_195 = tpu.memref_squeeze %dma_wait3A_194 : memref<1x128xi32, #tpu.memory_space<vmem>> -> memref<128xi32, #tpu.memory_space<vmem>>
          %dma_wait3A_196 = arith.constant 0 : i32
          %dma_wait3A_197 = arith.constant 0 : i32
          %dma_wait3A_198 = tpu.memref_slice %arg9[%dma_wait3A_196, %dma_wait3A_197] : memref<5128x128xf32, #tpu.memory_space<vmem_shared>> -> memref<5128x128xf32, #tpu.memory_space<vmem_shared>>
          tpu.wait_indirect_dma semaphore(%arg13 : memref<!tpu.dma_semaphore, #tpu.memory_space<semaphore_mem>>) src(%dma_wait3A_192 : memref<128x128xf32, #tpu.memory_space<vmem>>) dst(%dma_wait3A_198 : memref<5128x128xf32, #tpu.memory_space<vmem_shared>>)
        } else {
        }
        %add3A_174 = arith.constant 1 : i32
        %add3A_175 = arith.addi %add3A_110, %add3A_174 : i32
        %dma_start3A_176 = arith.constant 1 : i32
        %dma_start3A_177 = arith.constant 0 : i32
        %dma_start3A_178 = arith.constant 0 : i32
        %dma_start3A_179 = tpu.memref_slice %arg8[%dma_start3A_176, %dma_start3A_177, %dma_start3A_178] : memref<2x128x128xf32, #tpu.memory_space<vmem>> -> memref<1x128x128xf32, #tpu.memory_space<vmem>>
        %dma_start3A_180 = tpu.memref_squeeze %dma_start3A_179 : memref<1x128x128xf32, #tpu.memory_space<vmem>> -> memref<128x128xf32, #tpu.memory_space<vmem>>
        %dma_start3A_181 = arith.constant 0 : i32
        %dma_start3A_182 = tpu.memref_slice %arg6[%add3A_175, %dma_start3A_181] : memref<160x128xi32, #tpu.memory_space<vmem>> -> memref<1x128xi32, #tpu.memory_space<vmem>>
        %dma_start3A_183 = tpu.memref_squeeze %dma_start3A_182 : memref<1x128xi32, #tpu.memory_space<vmem>> -> memref<128xi32, #tpu.memory_space<vmem>>
        %dma_start3A_184 = arith.constant 0 : i32
        %dma_start3A_185 = arith.constant 0 : i32
        %dma_start3A_186 = tpu.memref_slice %arg2[%dma_start3A_184, %dma_start3A_185] : memref<20480x128xf32, #tpu.memory_space<hbm>> -> memref<20480x128xf32, #tpu.memory_space<hbm>>
        tpu.enqueue_indirect_dma source(%dma_start3A_186 : memref<20480x128xf32, #tpu.memory_space<hbm>>) target(%dma_start3A_180 : memref<128x128xf32, #tpu.memory_space<vmem>>) offsets(%dma_start3A_183 : memref<128xi32, #tpu.memory_space<vmem>>) semaphore(%arg11 : memref<!tpu.dma_semaphore, #tpu.memory_space<semaphore_mem>>)
      } else {
      }
      %dma_wait3A_115 = arith.constant 0 : i32
      %dma_wait3A_116 = arith.constant 0 : i32
      %dma_wait3A_117 = arith.constant 0 : i32
      %dma_wait3A_118 = arith.constant 0 : i32
      %dma_wait3A_119 = tpu.memref_slice %arg8[%dma_wait3A_116, %dma_wait3A_117, %dma_wait3A_118] : memref<2x128x128xf32, #tpu.memory_space<vmem>> -> memref<1x128x128xf32, #tpu.memory_space<vmem>>
      %dma_wait3A_120 = tpu.memref_squeeze %dma_wait3A_119 : memref<1x128x128xf32, #tpu.memory_space<vmem>> -> memref<128x128xf32, #tpu.memory_space<vmem>>
      %dma_wait3A_121 = arith.constant 0 : i32
      %dma_wait3A_122 = tpu.memref_slice %arg6[%dma_wait3A_115, %dma_wait3A_121] : memref<160x128xi32, #tpu.memory_space<vmem>> -> memref<1x128xi32, #tpu.memory_space<vmem>>
      %dma_wait3A_123 = tpu.memref_squeeze %dma_wait3A_122 : memref<1x128xi32, #tpu.memory_space<vmem>> -> memref<128xi32, #tpu.memory_space<vmem>>
      %dma_wait3A_124 = arith.constant 0 : i32
      %dma_wait3A_125 = arith.constant 0 : i32
      %dma_wait3A_126 = tpu.memref_slice %arg2[%dma_wait3A_124, %dma_wait3A_125] : memref<20480x128xf32, #tpu.memory_space<hbm>> -> memref<20480x128xf32, #tpu.memory_space<hbm>>
      tpu.wait_indirect_dma semaphore(%arg10 : memref<!tpu.dma_semaphore, #tpu.memory_space<semaphore_mem>>) src(%dma_wait3A_126 : memref<20480x128xf32, #tpu.memory_space<hbm>>) dst(%dma_wait3A_120 : memref<128x128xf32, #tpu.memory_space<vmem>>)
      %dma_start3A_127 = arith.constant 0 : i32
      %dma_start3A_128 = arith.constant 0 : i32
      %dma_start3A_129 = arith.constant 0 : i32
      %dma_start3A_130 = tpu.memref_slice %arg8[%dma_start3A_127, %dma_start3A_128, %dma_start3A_129] : memref<2x128x128xf32, #tpu.memory_space<vmem>> -> memref<1x128x128xf32, #tpu.memory_space<vmem>>
      %dma_start3A_131 = tpu.memref_squeeze %dma_start3A_130 : memref<1x128x128xf32, #tpu.memory_space<vmem>> -> memref<128x128xf32, #tpu.memory_space<vmem>>
      %dma_start3A_132 = arith.constant 0 : i32
      %dma_start3A_133 = tpu.memref_slice %arg7[%add3A_110, %dma_start3A_132] : memref<160x128xi32, #tpu.memory_space<vmem>> -> memref<1x128xi32, #tpu.memory_space<vmem>>
      %dma_start3A_134 = tpu.memref_squeeze %dma_start3A_133 : memref<1x128xi32, #tpu.memory_space<vmem>> -> memref<128xi32, #tpu.memory_space<vmem>>
      %dma_start3A_135 = arith.constant 0 : i32
      %dma_start3A_136 = arith.constant 0 : i32
      %dma_start3A_137 = tpu.memref_slice %arg9[%dma_start3A_135, %dma_start3A_136] : memref<5128x128xf32, #tpu.memory_space<vmem_shared>> -> memref<5128x128xf32, #tpu.memory_space<vmem_shared>>
      tpu.enqueue_indirect_dma source(%dma_start3A_131 : memref<128x128xf32, #tpu.memory_space<vmem>>) target(%dma_start3A_137 : memref<5128x128xf32, #tpu.memory_space<vmem_shared>>) offsets(%dma_start3A_134 : memref<128xi32, #tpu.memory_space<vmem>>) semaphore(%arg12 : memref<!tpu.dma_semaphore, #tpu.memory_space<semaphore_mem>>) {add = true}
      %add3A_138 = arith.constant 1 : i32
      %add3A_139 = arith.addi %add3A_108, %add3A_138 : i32
      %add3A_140 = arith.constant 1 : i32
      %add3A_141 = arith.addi %add3A_139, %add3A_140 : i32
      %lt3A_142 = arith.constant 160 : i32
      %lt3A_143 = arith.cmpi slt, %add3A_141, %lt3A_142 : i32
      %convert_element_type3A_144 = arith.extui %lt3A_143 : i1 to i32
      %cond3A_145 = arith.constant 0 : i32
      %cond3A_146 = arith.cmpi ne, %convert_element_type3A_144, %cond3A_145 : i32
      scf.if %cond3A_146 {
        %ge3A = arith.constant 1 : i32
        %ge3A_170 = arith.cmpi sge, %add3A_139, %ge3A : i32
        %convert_element_type3A_171 = arith.extui %ge3A_170 : i1 to i32
        %cond3A_172 = arith.constant 0 : i32
        %cond3A_173 = arith.cmpi ne, %convert_element_type3A_171, %cond3A_172 : i32
        scf.if %cond3A_173 {
          %dma_wait3A_187 = arith.constant 0 : i32
          %dma_wait3A_188 = arith.constant 0 : i32
          %dma_wait3A_189 = arith.constant 0 : i32
          %dma_wait3A_190 = arith.constant 0 : i32
          %dma_wait3A_191 = tpu.memref_slice %arg8[%dma_wait3A_187, %dma_wait3A_189, %dma_wait3A_190] : memref<2x128x128xf32, #tpu.memory_space<vmem>> -> memref<1x128x128xf32, #tpu.memory_space<vmem>>
          %dma_wait3A_192 = tpu.memref_squeeze %dma_wait3A_191 : memref<1x128x128xf32, #tpu.memory_space<vmem>> -> memref<128x128xf32, #tpu.memory_space<vmem>>
          %dma_wait3A_193 = arith.constant 0 : i32
          %dma_wait3A_194 = tpu.memref_slice %arg7[%dma_wait3A_188, %dma_wait3A_193] : memref<160x128xi32, #tpu.memory_space<vmem>> -> memref<1x128xi32, #tpu.memory_space<vmem>>
          %dma_wait3A_195 = tpu.memref_squeeze %dma_wait3A_194 : memref<1x128xi32, #tpu.memory_space<vmem>> -> memref<128xi32, #tpu.memory_space<vmem>>
          %dma_wait3A_196 = arith.constant 0 : i32
          %dma_wait3A_197 = arith.constant 0 : i32
          %dma_wait3A_198 = tpu.memref_slice %arg9[%dma_wait3A_196, %dma_wait3A_197] : memref<5128x128xf32, #tpu.memory_space<vmem_shared>> -> memref<5128x128xf32, #tpu.memory_space<vmem_shared>>
          tpu.wait_indirect_dma semaphore(%arg12 : memref<!tpu.dma_semaphore, #tpu.memory_space<semaphore_mem>>) src(%dma_wait3A_192 : memref<128x128xf32, #tpu.memory_space<vmem>>) dst(%dma_wait3A_198 : memref<5128x128xf32, #tpu.memory_space<vmem_shared>>)
        } else {
        }
        %add3A_174 = arith.constant 1 : i32
        %add3A_175 = arith.addi %add3A_139, %add3A_174 : i32
        %dma_start3A_176 = arith.constant 0 : i32
        %dma_start3A_177 = arith.constant 0 : i32
        %dma_start3A_178 = arith.constant 0 : i32
        %dma_start3A_179 = tpu.memref_slice %arg8[%dma_start3A_176, %dma_start3A_177, %dma_start3A_178] : memref<2x128x128xf32, #tpu.memory_space<vmem>> -> memref<1x128x128xf32, #tpu.memory_space<vmem>>
        %dma_start3A_180 = tpu.memref_squeeze %dma_start3A_179 : memref<1x128x128xf32, #tpu.memory_space<vmem>> -> memref<128x128xf32, #tpu.memory_space<vmem>>
        %dma_start3A_181 = arith.constant 0 : i32
        %dma_start3A_182 = tpu.memref_slice %arg6[%add3A_175, %dma_start3A_181] : memref<160x128xi32, #tpu.memory_space<vmem>> -> memref<1x128xi32, #tpu.memory_space<vmem>>
        %dma_start3A_183 = tpu.memref_squeeze %dma_start3A_182 : memref<1x128xi32, #tpu.memory_space<vmem>> -> memref<128xi32, #tpu.memory_space<vmem>>
        %dma_start3A_184 = arith.constant 0 : i32
        %dma_start3A_185 = arith.constant 0 : i32
        %dma_start3A_186 = tpu.memref_slice %arg2[%dma_start3A_184, %dma_start3A_185] : memref<20480x128xf32, #tpu.memory_space<hbm>> -> memref<20480x128xf32, #tpu.memory_space<hbm>>
        tpu.enqueue_indirect_dma source(%dma_start3A_186 : memref<20480x128xf32, #tpu.memory_space<hbm>>) target(%dma_start3A_180 : memref<128x128xf32, #tpu.memory_space<vmem>>) offsets(%dma_start3A_183 : memref<128xi32, #tpu.memory_space<vmem>>) semaphore(%arg10 : memref<!tpu.dma_semaphore, #tpu.memory_space<semaphore_mem>>)
      } else {
      }
      %dma_wait3A_147 = arith.constant 0 : i32
      %dma_wait3A_148 = arith.constant 1 : i32
      %dma_wait3A_149 = arith.constant 0 : i32
      %dma_wait3A_150 = arith.constant 0 : i32
      %dma_wait3A_151 = tpu.memref_slice %arg8[%dma_wait3A_148, %dma_wait3A_149, %dma_wait3A_150] : memref<2x128x128xf32, #tpu.memory_space<vmem>> -> memref<1x128x128xf32, #tpu.memory_space<vmem>>
      %dma_wait3A_152 = tpu.memref_squeeze %dma_wait3A_151 : memref<1x128x128xf32, #tpu.memory_space<vmem>> -> memref<128x128xf32, #tpu.memory_space<vmem>>
      %dma_wait3A_153 = arith.constant 0 : i32
      %dma_wait3A_154 = tpu.memref_slice %arg6[%dma_wait3A_147, %dma_wait3A_153] : memref<160x128xi32, #tpu.memory_space<vmem>> -> memref<1x128xi32, #tpu.memory_space<vmem>>
      %dma_wait3A_155 = tpu.memref_squeeze %dma_wait3A_154 : memref<1x128xi32, #tpu.memory_space<vmem>> -> memref<128xi32, #tpu.memory_space<vmem>>
      %dma_wait3A_156 = arith.constant 0 : i32
      %dma_wait3A_157 = arith.constant 0 : i32
      %dma_wait3A_158 = tpu.memref_slice %arg2[%dma_wait3A_156, %dma_wait3A_157] : memref<20480x128xf32, #tpu.memory_space<hbm>> -> memref<20480x128xf32, #tpu.memory_space<hbm>>
      tpu.wait_indirect_dma semaphore(%arg11 : memref<!tpu.dma_semaphore, #tpu.memory_space<semaphore_mem>>) src(%dma_wait3A_158 : memref<20480x128xf32, #tpu.memory_space<hbm>>) dst(%dma_wait3A_152 : memref<128x128xf32, #tpu.memory_space<vmem>>)
      %dma_start3A_159 = arith.constant 1 : i32
      %dma_start3A_160 = arith.constant 0 : i32
      %dma_start3A_161 = arith.constant 0 : i32
      %dma_start3A_162 = tpu.memref_slice %arg8[%dma_start3A_159, %dma_start3A_160, %dma_start3A_161] : memref<2x128x128xf32, #tpu.memory_space<vmem>> -> memref<1x128x128xf32, #tpu.memory_space<vmem>>
      %dma_start3A_163 = tpu.memref_squeeze %dma_start3A_162 : memref<1x128x128xf32, #tpu.memory_space<vmem>> -> memref<128x128xf32, #tpu.memory_space<vmem>>
      %dma_start3A_164 = arith.constant 0 : i32
      %dma_start3A_165 = tpu.memref_slice %arg7[%add3A_139, %dma_start3A_164] : memref<160x128xi32, #tpu.memory_space<vmem>> -> memref<1x128xi32, #tpu.memory_space<vmem>>
      %dma_start3A_166 = tpu.memref_squeeze %dma_start3A_165 : memref<1x128xi32, #tpu.memory_space<vmem>> -> memref<128xi32, #tpu.memory_space<vmem>>
      %dma_start3A_167 = arith.constant 0 : i32
      %dma_start3A_168 = arith.constant 0 : i32
      %dma_start3A_169 = tpu.memref_slice %arg9[%dma_start3A_167, %dma_start3A_168] : memref<5128x128xf32, #tpu.memory_space<vmem_shared>> -> memref<5128x128xf32, #tpu.memory_space<vmem_shared>>
      tpu.enqueue_indirect_dma source(%dma_start3A_163 : memref<128x128xf32, #tpu.memory_space<vmem>>) target(%dma_start3A_169 : memref<5128x128xf32, #tpu.memory_space<vmem_shared>>) offsets(%dma_start3A_166 : memref<128xi32, #tpu.memory_space<vmem>>) semaphore(%arg13 : memref<!tpu.dma_semaphore, #tpu.memory_space<semaphore_mem>>) {add = true}
    }
    %scan3A_76 = arith.constant 80 : i32
    %dma_wait3A_77 = arith.constant 0 : i32
    %dma_wait3A_78 = arith.constant 0 : i32
    %dma_wait3A_79 = arith.constant 0 : i32
    %dma_wait3A_80 = arith.constant 0 : i32
    %dma_wait3A_81 = tpu.memref_slice %arg8[%dma_wait3A_77, %dma_wait3A_79, %dma_wait3A_80] : memref<2x128x128xf32, #tpu.memory_space<vmem>> -> memref<1x128x128xf32, #tpu.memory_space<vmem>>
    %dma_wait3A_82 = tpu.memref_squeeze %dma_wait3A_81 : memref<1x128x128xf32, #tpu.memory_space<vmem>> -> memref<128x128xf32, #tpu.memory_space<vmem>>
    %dma_wait3A_83 = arith.constant 0 : i32
    %dma_wait3A_84 = tpu.memref_slice %arg7[%dma_wait3A_78, %dma_wait3A_83] : memref<160x128xi32, #tpu.memory_space<vmem>> -> memref<1x128xi32, #tpu.memory_space<vmem>>
    %dma_wait3A_85 = tpu.memref_squeeze %dma_wait3A_84 : memref<1x128xi32, #tpu.memory_space<vmem>> -> memref<128xi32, #tpu.memory_space<vmem>>
    %dma_wait3A_86 = arith.constant 0 : i32
    %dma_wait3A_87 = arith.constant 0 : i32
    %dma_wait3A_88 = tpu.memref_slice %arg9[%dma_wait3A_86, %dma_wait3A_87] : memref<5128x128xf32, #tpu.memory_space<vmem_shared>> -> memref<5128x128xf32, #tpu.memory_space<vmem_shared>>
    tpu.wait_indirect_dma semaphore(%arg12 : memref<!tpu.dma_semaphore, #tpu.memory_space<semaphore_mem>>) src(%dma_wait3A_82 : memref<128x128xf32, #tpu.memory_space<vmem>>) dst(%dma_wait3A_88 : memref<5128x128xf32, #tpu.memory_space<vmem_shared>>)
    %dma_wait3A_89 = arith.constant 1 : i32
    %dma_wait3A_90 = arith.constant 0 : i32
    %dma_wait3A_91 = arith.constant 0 : i32
    %dma_wait3A_92 = arith.constant 0 : i32
    %dma_wait3A_93 = tpu.memref_slice %arg8[%dma_wait3A_89, %dma_wait3A_91, %dma_wait3A_92] : memref<2x128x128xf32, #tpu.memory_space<vmem>> -> memref<1x128x128xf32, #tpu.memory_space<vmem>>
    %dma_wait3A_94 = tpu.memref_squeeze %dma_wait3A_93 : memref<1x128x128xf32, #tpu.memory_space<vmem>> -> memref<128x128xf32, #tpu.memory_space<vmem>>
    %dma_wait3A_95 = arith.constant 0 : i32
    %dma_wait3A_96 = tpu.memref_slice %arg7[%dma_wait3A_90, %dma_wait3A_95] : memref<160x128xi32, #tpu.memory_space<vmem>> -> memref<1x128xi32, #tpu.memory_space<vmem>>
    %dma_wait3A_97 = tpu.memref_squeeze %dma_wait3A_96 : memref<1x128xi32, #tpu.memory_space<vmem>> -> memref<128xi32, #tpu.memory_space<vmem>>
    %dma_wait3A_98 = arith.constant 0 : i32
    %dma_wait3A_99 = arith.constant 0 : i32
    %dma_wait3A_100 = tpu.memref_slice %arg9[%dma_wait3A_98, %dma_wait3A_99] : memref<5128x128xf32, #tpu.memory_space<vmem_shared>> -> memref<5128x128xf32, #tpu.memory_space<vmem_shared>>
    tpu.wait_indirect_dma semaphore(%arg13 : memref<!tpu.dma_semaphore, #tpu.memory_space<semaphore_mem>>) src(%dma_wait3A_94 : memref<128x128xf32, #tpu.memory_space<vmem>>) dst(%dma_wait3A_100 : memref<5128x128xf32, #tpu.memory_space<vmem_shared>>)
    %barrier3A_101 = arith.constant 0 : index
    tpu.barrier barrier_id(%barrier3A_101)
    %add3A_102 = arith.constant 2 : i32
    %add3A_103 = arith.addi %add3A_102, %arg0 : i32
    "tpu.region"() ({
      %run_scoped3A = tpu.sem_alloc : memref<!tpu.dma_semaphore, #tpu.memory_space<semaphore_mem>>
      %dma_start3A_104 = arith.constant 0 : i32
      %dma_start3A_105 = tpu.memref_slice %arg5[%add3A_103, %mul3A_0, %dma_start3A_104] : memref<4x5120x128xf32, #tpu.memory_space<hbm>> -> memref<1x320x128xf32, #tpu.memory_space<hbm>>
      %dma_start3A_106 = tpu.memref_squeeze %dma_start3A_105 : memref<1x320x128xf32, #tpu.memory_space<hbm>> -> memref<320x128xf32, #tpu.memory_space<hbm>>
      %dma_start3A_107 = arith.constant 0 : i32
      %dma_start3A_108 = tpu.memref_slice %arg9[%mul3A_0, %dma_start3A_107] : memref<5128x128xf32, #tpu.memory_space<vmem_shared>> -> memref<320x128xf32, #tpu.memory_space<vmem_shared>>
      tpu.enqueue_dma source(%dma_start3A_108 : memref<320x128xf32, #tpu.memory_space<vmem_shared>>) target(%dma_start3A_106 : memref<320x128xf32, #tpu.memory_space<hbm>>) target_semaphore(%run_scoped3A : memref<!tpu.dma_semaphore, #tpu.memory_space<semaphore_mem>>)
      %dma_wait3A_109 = arith.constant 0 : i32
      %dma_wait3A_110 = tpu.memref_slice %arg5[%add3A_103, %mul3A_0, %dma_wait3A_109] : memref<4x5120x128xf32, #tpu.memory_space<hbm>> -> memref<1x320x128xf32, #tpu.memory_space<hbm>>
      %dma_wait3A_111 = tpu.memref_squeeze %dma_wait3A_110 : memref<1x320x128xf32, #tpu.memory_space<hbm>> -> memref<320x128xf32, #tpu.memory_space<hbm>>
      %dma_wait3A_112 = arith.constant 0 : i32
      %dma_wait3A_113 = tpu.memref_slice %arg9[%mul3A_0, %dma_wait3A_112] : memref<5128x128xf32, #tpu.memory_space<vmem_shared>> -> memref<320x128xf32, #tpu.memory_space<vmem_shared>>
      tpu.wait_dma2 semaphore(%run_scoped3A : memref<!tpu.dma_semaphore, #tpu.memory_space<semaphore_mem>>) src(%dma_wait3A_113 : memref<320x128xf32, #tpu.memory_space<vmem_shared>>) dst(%dma_wait3A_111 : memref<320x128xf32, #tpu.memory_space<hbm>>)
      tpu.yield
    }) : () -> ()
    return
  }
}

module attributes {stable_mosaic.version = 14 : i64} {
  func.func @_tc1_body(%arg0: memref<10000x128xf32, #tpu.memory_space<vmem>>, %arg1: memref<128x128xf32, #tpu.memory_space<vmem>>, %arg2: memref<128x128xf32, #tpu.memory_space<vmem>>, %arg3: memref<2x5120x128xf32, #tpu.memory_space<vmem>>, %arg4: memref<20480x128xf32, #tpu.memory_space<vmem>>, %arg5: memref<10000x1xf32, #tpu.memory_space<vmem>>) attributes {dimension_semantics = [], scalar_prefetch = 0 : i64, scratch_operands = 0 : i64, tpu.core_type = #tpu.core_type<tc>} {
    %get3A = arith.constant 0 : index
    %get3A_0 = arith.constant 0 : index
    %get3A_1 = arith.constant 0 : index
    %get3A_2 = vector.load %arg3[%get3A, %get3A_0, %get3A_1] : memref<2x5120x128xf32, #tpu.memory_space<vmem>>, vector<1x5120x128xf32>
    %get3A_3 = vector.shape_cast %get3A_2 : vector<1x5120x128xf32> to vector<5120x128xf32>
    %get3A_4 = arith.constant 1 : index
    %get3A_5 = arith.constant 0 : index
    %get3A_6 = arith.constant 0 : index
    %get3A_7 = vector.load %arg3[%get3A_4, %get3A_5, %get3A_6] : memref<2x5120x128xf32, #tpu.memory_space<vmem>>, vector<1x4880x128xf32>
    %get3A_8 = vector.shape_cast %get3A_7 : vector<1x4880x128xf32> to vector<4880x128xf32>
    %concatenate3A = tpu.concatenate %get3A_3, %get3A_8 in 0 : vector<5120x128xf32>, vector<4880x128xf32> -> vector<10000x128xf32>
    %slice3A = vector.extract_strided_slice %concatenate3A {offsets = [0, 0], sizes = [10000, 1], strides = [1, 1]} : vector<10000x128xf32> to vector<10000x1xf32>
    %rsqrt3A = math.rsqrt %slice3A : vector<10000x1xf32>
    %swap3A = arith.constant 0 : index
    %swap3A_9 = arith.constant 0 : index
    %swap3A_10 = vector.load %arg5[%swap3A, %swap3A_9] : memref<10000x1xf32, #tpu.memory_space<vmem>>, vector<10000x1xf32>
    tpu.vector_store %arg5[%swap3A, %swap3A_9], %rsqrt3A {strides = array<i32>} : memref<10000x1xf32, #tpu.memory_space<vmem>>, vector<10000x1xf32>,
    %get3A_11 = arith.constant 0 : index
    %get3A_12 = arith.constant 0 : index
    %get3A_13 = vector.load %arg0[%get3A_11, %get3A_12] : memref<10000x128xf32, #tpu.memory_space<vmem>>, vector<10000x128xf32>
    %broadcast_in_dim3A = arith.constant 0.000000e+00 : f32
    %broadcast_in_dim3A_14 = vector.broadcast %broadcast_in_dim3A : f32 to vector<240x128xf32>
    %get3A_15 = arith.constant 0 : index
    %get3A_16 = arith.constant 0 : index
    %get3A_17 = vector.load %arg1[%get3A_15, %get3A_16] : memref<128x128xf32, #tpu.memory_space<vmem>>, vector<128x128xf32>
    %dot_general3A = arith.constant dense<0.000000e+00> : vector<10000x128xf32>
    %dot_general3A_18 = tpu.matmul %get3A_13, %get3A_17, %dot_general3A {dimension_numbers = #tpu.dot_dimension_numbers<[1], [0], [0], [1], [0, 0, 1, 1], [], []>, transpose_lhs_hint = false} : vector<10000x128xf32>, vector<128x128xf32>, vector<10000x128xf32> -> vector<10000x128xf32>
    %mul3A = vector.broadcast %rsqrt3A : vector<10000x1xf32> to vector<10000x128xf32>
    %mul3A_19 = arith.mulf %dot_general3A_18, %mul3A : vector<10000x128xf32>
    %swap3A_20 = arith.constant 0 : index
    %swap3A_21 = arith.constant 0 : index
    %swap3A_22 = vector.load %arg4[%swap3A_20, %swap3A_21] : memref<20480x128xf32, #tpu.memory_space<vmem>>, vector<10000x128xf32>
    tpu.vector_store %arg4[%swap3A_20, %swap3A_21], %mul3A_19 {strides = array<i32>} : memref<20480x128xf32, #tpu.memory_space<vmem>>, vector<10000x128xf32>,
    %swap3A_23 = arith.constant 10000 : index
    %swap3A_24 = arith.constant 0 : index
    %swap3A_25 = vector.load %arg4[%swap3A_23, %swap3A_24] : memref<20480x128xf32, #tpu.memory_space<vmem>>, vector<240x128xf32>
    tpu.vector_store %arg4[%swap3A_23, %swap3A_24], %broadcast_in_dim3A_14 {strides = array<i32>} : memref<20480x128xf32, #tpu.memory_space<vmem>>, vector<240x128xf32>,
    %get3A_26 = arith.constant 0 : index
    %get3A_27 = arith.constant 0 : index
    %get3A_28 = vector.load %arg2[%get3A_26, %get3A_27] : memref<128x128xf32, #tpu.memory_space<vmem>>, vector<128x128xf32>
    %dot_general3A_29 = arith.constant dense<0.000000e+00> : vector<10000x128xf32>
    %dot_general3A_30 = tpu.matmul %get3A_13, %get3A_28, %dot_general3A_29 {dimension_numbers = #tpu.dot_dimension_numbers<[1], [0], [0], [1], [0, 0, 1, 1], [], []>, transpose_lhs_hint = false} : vector<10000x128xf32>, vector<128x128xf32>, vector<10000x128xf32> -> vector<10000x128xf32>
    %mul3A_31 = vector.broadcast %rsqrt3A : vector<10000x1xf32> to vector<10000x128xf32>
    %mul3A_32 = arith.mulf %dot_general3A_30, %mul3A_31 : vector<10000x128xf32>
    %swap3A_33 = arith.constant 10240 : index
    %swap3A_34 = arith.constant 0 : index
    %swap3A_35 = vector.load %arg4[%swap3A_33, %swap3A_34] : memref<20480x128xf32, #tpu.memory_space<vmem>>, vector<10000x128xf32>
    tpu.vector_store %arg4[%swap3A_33, %swap3A_34], %mul3A_32 {strides = array<i32>} : memref<20480x128xf32, #tpu.memory_space<vmem>>, vector<10000x128xf32>,
    %swap3A_36 = arith.constant 20240 : index
    %swap3A_37 = arith.constant 0 : index
    %swap3A_38 = vector.load %arg4[%swap3A_36, %swap3A_37] : memref<20480x128xf32, #tpu.memory_space<vmem>>, vector<240x128xf32>
    tpu.vector_store %arg4[%swap3A_36, %swap3A_37], %broadcast_in_dim3A_14 {strides = array<i32>} : memref<20480x128xf32, #tpu.memory_space<vmem>>, vector<240x128xf32>,
    return
  }
}

module attributes {stable_mosaic.version = 14 : i64} {
  func.func @_tc2_body(%arg0: memref<4x5120x128xf32, #tpu.memory_space<vmem>>, %arg1: memref<10000x1xf32, #tpu.memory_space<vmem>>, %arg2: memref<1x256xf32, #tpu.memory_space<vmem>>, %arg3: memref<256x64xf32, #tpu.memory_space<vmem>>, %arg4: memref<10000x256xf32, #tpu.memory_space<vmem>>, %arg5: memref<10240x128xf32, #tpu.memory_space<vmem>>) attributes {dimension_semantics = [], scalar_prefetch = 0 : i64, scratch_operands = 0 : i64, tpu.core_type = #tpu.core_type<tc>} {
    %get3A = arith.constant 0 : index
    %get3A_0 = arith.constant 0 : index
    %get3A_1 = vector.load %arg1[%get3A, %get3A_0] : memref<10000x1xf32, #tpu.memory_space<vmem>>, vector<10000x1xf32>
    %get3A_2 = arith.constant 0 : index
    %get3A_3 = arith.constant 0 : index
    %get3A_4 = arith.constant 0 : index
    %get3A_5 = vector.load %arg0[%get3A_2, %get3A_3, %get3A_4] : memref<4x5120x128xf32, #tpu.memory_space<vmem>>, vector<1x5120x128xf32>
    %get3A_6 = vector.shape_cast %get3A_5 : vector<1x5120x128xf32> to vector<5120x128xf32>
    %get3A_7 = arith.constant 2 : index
    %get3A_8 = arith.constant 0 : index
    %get3A_9 = arith.constant 0 : index
    %get3A_10 = vector.load %arg0[%get3A_7, %get3A_8, %get3A_9] : memref<4x5120x128xf32, #tpu.memory_space<vmem>>, vector<1x5120x128xf32>
    %get3A_11 = vector.shape_cast %get3A_10 : vector<1x5120x128xf32> to vector<5120x128xf32>
    %concatenate3A = tpu.concatenate %get3A_6, %get3A_11 in 1 : vector<5120x128xf32>, vector<5120x128xf32> -> vector<5120x256xf32>
    %get3A_12 = arith.constant 1 : index
    %get3A_13 = arith.constant 0 : index
    %get3A_14 = arith.constant 0 : index
    %get3A_15 = vector.load %arg0[%get3A_12, %get3A_13, %get3A_14] : memref<4x5120x128xf32, #tpu.memory_space<vmem>>, vector<1x4880x128xf32>
    %get3A_16 = vector.shape_cast %get3A_15 : vector<1x4880x128xf32> to vector<4880x128xf32>
    %get3A_17 = arith.constant 3 : index
    %get3A_18 = arith.constant 0 : index
    %get3A_19 = arith.constant 0 : index
    %get3A_20 = vector.load %arg0[%get3A_17, %get3A_18, %get3A_19] : memref<4x5120x128xf32, #tpu.memory_space<vmem>>, vector<1x4880x128xf32>
    %get3A_21 = vector.shape_cast %get3A_20 : vector<1x4880x128xf32> to vector<4880x128xf32>
    %concatenate3A_22 = tpu.concatenate %get3A_16, %get3A_21 in 1 : vector<4880x128xf32>, vector<4880x128xf32> -> vector<4880x256xf32>
    %concatenate3A_23 = tpu.concatenate %concatenate3A, %concatenate3A_22 in 0 : vector<5120x256xf32>, vector<4880x256xf32> -> vector<10000x256xf32>
    %mul3A = vector.broadcast %get3A_1 : vector<10000x1xf32> to vector<10000x256xf32>
    %mul3A_24 = arith.mulf %concatenate3A_23, %mul3A : vector<10000x256xf32>
    %get3A_25 = arith.constant 0 : index
    %get3A_26 = arith.constant 0 : index
    %get3A_27 = vector.load %arg2[%get3A_25, %get3A_26] : memref<1x256xf32, #tpu.memory_space<vmem>>, vector<1x256xf32>
    %add3A = vector.broadcast %get3A_27 : vector<1x256xf32> to vector<10000x256xf32>
    %add3A_28 = arith.addf %mul3A_24, %add3A : vector<10000x256xf32>
    %max3A = arith.constant 0.000000e+00 : f32
    %max3A_29 = vector.broadcast %max3A : f32 to vector<10000x256xf32>
    %max3A_30 = arith.maximumf %add3A_28, %max3A_29 : vector<10000x256xf32>
    %swap3A = arith.constant 0 : index
    %swap3A_31 = arith.constant 0 : index
    %swap3A_32 = vector.load %arg4[%swap3A, %swap3A_31] : memref<10000x256xf32, #tpu.memory_space<vmem>>, vector<10000x256xf32>
    tpu.vector_store %arg4[%swap3A, %swap3A_31], %max3A_30 {strides = array<i32>} : memref<10000x256xf32, #tpu.memory_space<vmem>>, vector<10000x256xf32>,
    %get3A_33 = arith.constant 0 : index
    %get3A_34 = arith.constant 0 : index
    %get3A_35 = vector.load %arg3[%get3A_33, %get3A_34] : memref<256x64xf32, #tpu.memory_space<vmem>>, vector<256x64xf32>
    %dot_general3A = arith.constant dense<0.000000e+00> : vector<10000x64xf32>
    %dot_general3A_36 = tpu.matmul %max3A_30, %get3A_35, %dot_general3A {dimension_numbers = #tpu.dot_dimension_numbers<[1], [0], [0], [1], [0, 0, 1, 1], [], []>, transpose_lhs_hint = false} : vector<10000x256xf32>, vector<256x64xf32>, vector<10000x64xf32> -> vector<10000x64xf32>
    %mul3A_37 = vector.broadcast %get3A_1 : vector<10000x1xf32> to vector<10000x64xf32>
    %mul3A_38 = arith.mulf %dot_general3A_36, %mul3A_37 : vector<10000x64xf32>
    %broadcast_in_dim3A = arith.constant 0.000000e+00 : f32
    %broadcast_in_dim3A_39 = vector.broadcast %broadcast_in_dim3A : f32 to vector<10000x64xf32>
    %concatenate3A_40 = tpu.concatenate %mul3A_38, %broadcast_in_dim3A_39 in 1 : vector<10000x64xf32>, vector<10000x64xf32> -> vector<10000x128xf32>
    %swap3A_41 = arith.constant 0 : index
    %swap3A_42 = arith.constant 0 : index
    %swap3A_43 = vector.load %arg5[%swap3A_41, %swap3A_42] : memref<10240x128xf32, #tpu.memory_space<vmem>>, vector<10000x128xf32>
    tpu.vector_store %arg5[%swap3A_41, %swap3A_42], %concatenate3A_40 {strides = array<i32>} : memref<10240x128xf32, #tpu.memory_space<vmem>>, vector<10000x128xf32>,
    %broadcast_in_dim3A_44 = arith.constant 0.000000e+00 : f32
    %broadcast_in_dim3A_45 = vector.broadcast %broadcast_in_dim3A_44 : f32 to vector<240x128xf32>
    %swap3A_46 = arith.constant 10000 : index
    %swap3A_47 = arith.constant 0 : index
    %swap3A_48 = vector.load %arg5[%swap3A_46, %swap3A_47] : memref<10240x128xf32, #tpu.memory_space<vmem>>, vector<240x128xf32>
    tpu.vector_store %arg5[%swap3A_46, %swap3A_47], %broadcast_in_dim3A_45 {strides = array<i32>} : memref<10240x128xf32, #tpu.memory_space<vmem>>, vector<240x128xf32>,
    return
  }
}

module attributes {stable_mosaic.version = 14 : i64} {
  func.func @_tc3_body(%arg0: memref<2x5120x128xf32, #tpu.memory_space<vmem>>, %arg1: memref<10000x1xf32, #tpu.memory_space<vmem>>, %arg2: memref<1x64xf32, #tpu.memory_space<vmem>>, %arg3: memref<10000x64xf32, #tpu.memory_space<vmem>>) attributes {dimension_semantics = [], scalar_prefetch = 0 : i64, scratch_operands = 0 : i64, tpu.core_type = #tpu.core_type<tc>} {
    %get3A = arith.constant 0 : index
    %get3A_0 = arith.constant 0 : index
    %get3A_1 = arith.constant 0 : index
    %get3A_2 = vector.load %arg0[%get3A, %get3A_0, %get3A_1] : memref<2x5120x128xf32, #tpu.memory_space<vmem>>, vector<1x5120x128xf32>
    %get3A_3 = vector.shape_cast %get3A_2 : vector<1x5120x128xf32> to vector<5120x128xf32>
    %get3A_4 = arith.constant 1 : index
    %get3A_5 = arith.constant 0 : index
    %get3A_6 = arith.constant 0 : index
    %get3A_7 = vector.load %arg0[%get3A_4, %get3A_5, %get3A_6] : memref<2x5120x128xf32, #tpu.memory_space<vmem>>, vector<1x4880x128xf32>
    %get3A_8 = vector.shape_cast %get3A_7 : vector<1x4880x128xf32> to vector<4880x128xf32>
    %concatenate3A = tpu.concatenate %get3A_3, %get3A_8 in 0 : vector<5120x128xf32>, vector<4880x128xf32> -> vector<10000x128xf32>
    %slice3A = vector.extract_strided_slice %concatenate3A {offsets = [0, 0], sizes = [10000, 64], strides = [1, 1]} : vector<10000x128xf32> to vector<10000x64xf32>
    %get3A_9 = arith.constant 0 : index
    %get3A_10 = arith.constant 0 : index
    %get3A_11 = vector.load %arg1[%get3A_9, %get3A_10] : memref<10000x1xf32, #tpu.memory_space<vmem>>, vector<10000x1xf32>
    %mul3A = vector.broadcast %get3A_11 : vector<10000x1xf32> to vector<10000x64xf32>
    %mul3A_12 = arith.mulf %slice3A, %mul3A : vector<10000x64xf32>
    %get3A_13 = arith.constant 0 : index
    %get3A_14 = arith.constant 0 : index
    %get3A_15 = vector.load %arg2[%get3A_13, %get3A_14] : memref<1x64xf32, #tpu.memory_space<vmem>>, vector<1x64xf32>
    %add3A = vector.broadcast %get3A_15 : vector<1x64xf32> to vector<10000x64xf32>
    %add3A_16 = arith.addf %mul3A_12, %add3A : vector<10000x64xf32>
    %swap3A = arith.constant 0 : index
    %swap3A_17 = arith.constant 0 : index
    %swap3A_18 = vector.load %arg3[%swap3A, %swap3A_17] : memref<10000x64xf32, #tpu.memory_space<vmem>>, vector<10000x64xf32>
    tpu.vector_store %arg3[%swap3A, %swap3A_17], %add3A_16 {strides = array<i32>} : memref<10000x64xf32, #tpu.memory_space<vmem>>, vector<10000x64xf32>,
    return
  }
}

</mosaic_0001>

<sc_bundles>
// kernel: kernel.11.cloned.1.call-start
scs
__scs_entry_jumppad:
0x0: {  	(pc) =	sbr.rel $0x88, $3  }
0x1: {  	(tag) =	ssettag $0x0;
	lr =	simm.s32 $0x1  }
0x2: {  	[smem:$0x3F9B] =	sst lr;
	_ =	strace $0xD0000000  }
0x3: {  	_ = 	snop  }
0x4: {  	_ = 	snop  }
0x5: {  	_ = 	snop  }
0x6: {  	_ = 	snop  }
0x7: {  	_ = 	snop  }
__scs_overlays_trampoline_lowered:
0x8: {  	[smem:$0x3FAA] =	sst s0  }
0x9: {  	[smem:$0x3FAB] =	sst s1  }
0xa: {  	[smem:$0x3FAC] =	sst s2  }
0xb: {  	[smem:$0x3FAD] =	sst s3  }
0xc: {  	[smem:$0x3FAE] =	sst s4  }
0xd: {  	[smem:$0x3FAF] =	sst s5  }
0xe: {  	[smem:$0x3FB0] =	sst s6  }
0xf: {  	[smem:$0x3FB1] =	sst s7  }
0x10: {  	[smem:$0x3FB2] =	sst s8  }
0x11: {  	[smem:$0x3FB3] =	sst s9;
	s0 =	simm.s32 @!p0 $0x0  }
0x12: {  	s1 =	sld [smem:$0x3F99];
	s0 =	simm.s32 @p0 $0x1  }
0x13: {  	[smem:$0x3FB4] =	sst s0;
	s0 =	simm.s32 @!p1 $0x0  }
0x14: {  	s2 =	sld [smem:$0x3F98];
	s0 =	simm.s32 @p1 $0x1  }
0x15: {  	[smem:$0x3FB5] =	sst s0;
	s0 =	simm.s32 @!p2 $0x0  }
0x16: {  	s3 =	sld [smem:$0x3FDB];
	s0 =	simm.s32 @p2 $0x1  }
0x17: {  	s4 =	simm.s32 $0x1BF5;
	[smem:$0x3FB7] =	sst s0  }
0x18: {  	s0 =	sld [smem:$0x3F9A];
	_ =	swait.ge [sflag:s4], $0x0  }
0x19: {  	s7 =	sld [smem:$0x3F9B]  }
0x1a: {  	s8 =	sadd.s32 $0xFFFFE003, lr  }
0x1b: {  	s9 =	sadd.s32 $0xFFFFFEF7, lr;
	s5 =	simm.s32 $0xFFFFFFFF;
	p2 =	slt.u32 s8, $0xFFFFF086  }
0x1c: {  	p1 =	slt.u32 s9, $0xF7A;
	s5 =	simm.s32 @!p2 $0x0  }
0x1d: {  	s5 =	simm.s32 @p1 $0x1;
	p0 =	seq.s32 s7, s2  }
0x1e: {  	s7 =	smul.u32 @!p0 $0xF7A, s2;
	p2 =	seq.s32 @!p0 s5, $0x0  }
0x1f: {  	s9 =	smul.u32 $0xF7A, s1;
	s8 =	simm.s32 @!p0 $0x1BF5;
	p2 =	por !p2, p0  }
0x20: {  	[sflag:s8] =	ssyncset.s32 @!p0 $0xFFFFF086;
	s6 =	sadd.s32 @!p0 s3, s7;
	s7 =	simm.s32 @!p0 $0x108  }
0x21: {  	s3 =	sadd.s32 s3, s9;
	s6 =	sadd.s32 @!p0 $0x88, s6;
	s7 =	simm.s32 @p2 $0x1082  }
0x22: {  	[simem:s7], [sflag:s8] =	dma.local @!p0 [hbm:s6], $0xF7A  }
0x23: {  	s9 =	sor.u32 $0xD0000000, s2;
	s6 =	simm.s32 $0x108;
	_ =	swait.ge @!p0 [sflag:s8], $0x0  }
0x24: {  	s3 =	sadd.s32 $0x88, s3;
	s6 =	simm.s32 @!p1 $0x1082;
	[sflag:s4] =	ssyncset.s32 $0xFFFFF086  }
0x25: {  	[simem:s6], [sflag:s4] =	dma.local [hbm:s3], $0xF7A  }
0x26: {  	[smem:$0x3F9B] =	sst s1;
	(tag) =	ssettag s2;
	_ =	strace s9  }
0x27: {  	s1 =	sld [smem:$0x3FAB]  }
0x28: {  	s2 =	sld [smem:$0x3FAC]  }
0x29: {  	s4 =	sld [smem:$0x3FAE]  }
0x2a: {  	p0 =	seq.s32 s5, $0x0;
	s5 =	sld [smem:$0x3FAF]  }
0x2b: {  	s6 =	sld [smem:$0x3FB0]  }
0x2c: {  	s7 =	sld [smem:$0x3FB1]  }
0x2d: {  	s3 =	simm.s32 $0x108;
	s8 =	sld [smem:$0x3FB2]  }
0x2e: {  	s3 =	simm.s32 @!p0 $0x1082;
	s9 =	sld [smem:$0x3FB3]  }
0x2f: {  	lr =	sadd.s32 s0, s3;
	s0 =	sld [smem:$0x3FAA]  }
0x30: {  	s3 =	sld [smem:$0x3FAD]  }
0x31: {  	[smem:$0x3FB6] =	sst s10  }
0x32: {  	s10 =	sld [smem:$0x3FB4];
	_ =	sdelay $0x3  }
0x33: {  	p0 =	seq.s32 s10, $0x1;
	s10 =	sld [smem:$0x3FB6];
	_ =	sdelay $0x3  }
0x34: {  	[smem:$0x3FB6] =	sst s10  }
0x35: {  	s10 =	sld [smem:$0x3FB5];
	_ =	sdelay $0x3  }
0x36: {  	p1 =	seq.s32 s10, $0x1;
	s10 =	sld [smem:$0x3FB6];
	_ =	sdelay $0x3  }
0x37: {  	[smem:$0x3FB6] =	sst s10  }
0x38: {  	s10 =	sld [smem:$0x3FB7]  }
0x39: {  	_ = 	snop;
	(pc) =	sbr.ind lr, $3  }
0x3a: {  	_ = 	snop  }
0x3b: {  	_ = 	snop  }
0x3c: {  	p2 =	seq.s32 s10, $0x1;
	s10 =	sld [smem:$0x3FB6]  }
0x3d: {  	_ =	shalt  }
0x3e: {  	_ =	shalt  }
0x3f: {  	_ =	shalt  }
0x40: {  	_ =	shalt  }
0x41: {  	_ =	shalt  }
0x42: {  	_ =	shalt  }
0x43: {  	_ =	shalt  }
0x44: {  	_ =	shalt  }
0x45: {  	_ =	shalt  }
0x46: {  	_ =	shalt  }
0x47: {  	_ =	shalt  }
0x48: {  	_ =	shalt  }
0x49: {  	_ =	shalt  }
0x4a: {  	_ =	shalt  }
0x4b: {  	_ =	shalt  }
0x4c: {  	_ =	shalt  }
0x4d: {  	_ =	shalt  }
0x4e: {  	_ =	shalt  }
0x4f: {  	_ =	shalt  }
0x50: {  	_ =	shalt  }
0x51: {  	_ =	shalt  }
0x52: {  	_ =	shalt  }
0x53: {  	_ =	shalt  }
0x54: {  	_ =	shalt  }
0x55: {  	_ =	shalt  }
0x56: {  	_ =	shalt  }
0x57: {  	_ =	shalt  }
0x58: {  	_ =	shalt  }
0x59: {  	_ =	shalt  }
0x5a: {  	_ =	shalt  }
0x5b: {  	_ =	shalt  }
0x5c: {  	_ =	shalt  }
0x5d: {  	_ =	shalt  }
0x5e: {  	_ =	shalt  }
0x5f: {  	_ =	shalt  }
0x60: {  	_ =	shalt  }
0x61: {  	_ =	shalt  }
0x62: {  	_ =	shalt  }
0x63: {  	_ =	shalt  }
0x64: {  	_ =	shalt  }
0x65: {  	_ =	shalt  }
0x66: {  	_ =	shalt  }
0x67: {  	_ =	shalt  }
0x68: {  	_ =	shalt  }
0x69: {  	_ =	shalt  }
0x6a: {  	_ =	shalt  }
0x6b: {  	_ =	shalt  }
0x6c: {  	_ =	shalt  }
0x6d: {  	_ =	shalt  }
0x6e: {  	_ =	shalt  }
0x6f: {  	_ =	shalt  }
0x70: {  	_ =	shalt  }
0x71: {  	_ =	shalt  }
0x72: {  	_ =	shalt  }
0x73: {  	_ =	shalt  }
0x74: {  	_ =	shalt  }
0x75: {  	_ =	shalt  }
0x76: {  	_ =	shalt  }
0x77: {  	_ =	shalt  }
0x78: {  	_ =	shalt  }
0x79: {  	_ =	shalt  }
0x7a: {  	_ =	shalt  }
0x7b: {  	_ =	shalt  }
0x7c: {  	_ =	shalt  }
0x7d: {  	_ =	shalt  }
0x7e: {  	_ =	shalt  }
0x7f: {  	_ =	shalt  }
0x80: {  	_ =	shalt  }
0x81: {  	_ =	shalt  }
0x82: {  	_ =	shalt  }
0x83: {  	_ =	shalt  }
0x84: {  	_ =	shalt  }
0x85: {  	_ =	shalt  }
0x86: {  	_ =	shalt  }
0x87: {  	_ =	shalt  }
.Lfunc_end0:
.L_simem_size_0:
called_computation.1_lowered:
.L_overlay_start_0:
0x88: {  	s2 =	sld [smem:$0x3FD9]  }
0x89: {  	s3 =	sld [smem:$0x3FFE];
	_ =	sdelay $0x1  }
0x8a: {  	s1 =	srdreg.scid  }
0x8b: {  	s0 =	sand.u32 $0x1, s1  }
0x8c: {  	s16 =	sshll.u32 s0, $0xA;
	s2 =	sadd.s32 s3, s2  }
0x8d: {  	s2 =	sadd.s32 s2, s16  }
0x8e: {  	[smem:$0x3FC2] =	sst s2  }
0x8f: {  	_ = 	snop  }
0x90: {  	(tm) =	ssettm $0x1  }
0x91: {  	s17 =	sld [smem:$0x3FFB];
	_ =	sdelay $0x3  }
0x92: {  	_ =	strace s17  }
0x93: {  	s2 =	sld [smem:$0x3FFC];
	_ =	sdelay $0x3  }
0x94: {  	_ =	strace s2  }
0x95: {  	s2 =	sld [smem:$0x3FFD];
	_ =	sdelay $0x3  }
0x96: {  	_ =	strace s2  }
0x97: {  	_ =	strace $0x8FFFFFFF  }
0x98: {  	s18 =	sld [smem:$0x3FDB];
	_ =	sdelay $0x1  }
0x99: {  	s19 =	simm.s32 $_scs_section_size  }
0x9a: {  	s4 =	simm.s32 $_size__tile_overlayer_lowered;
	s5 =	simm.s32 $_tile_overlayer_lowered  }
0x9b: {  	s22 =	simm.s32 $0x1BFF;
	s21 =	sshll.u32 s5, $0x1;
	s2 =	sadd.s32 s19, s18  }
0x9c: {  	s6 =	simm.s32 $0x0;
	s20 =	sshll.u32 s4, $0x1;
	s4 =	sadd.s32 s21, s2  }
0x9d: {  	[timem:s6], [sflag:s22] =	dma.local [hbm:s4], s20  }
0x9e: {  	_ =	swait.ge [sflag:s22], s20  }
0x9f: {  	s3 =	ssub.s32 $0x0, s20;
	[sflag:s22] =	ssyncset.done $0x0  }
0xa0: {  	[sflag:s22] =	ssyncadd.s32 s3;
	_ =	sdelay $0x1  }
0xa1: {  	s23 =	simm.s32 $0x1B8B  }
0xa2: {  	_ =	swait.ge [sflag:s23], $0x1  }
0xa3: {  	[sflag:s23] =	ssyncset.done $0x0  }
0xa4: {  	s25 =	simm.s32 $0x1B8E;
	s24 =	sld [smem:$0x3FFE];
	[sflag:s23] =	ssyncadd.s32 $0xFFFFFFFF  }
0xa5: {  	s26 =	simm.s32 $execute0_lowered;
	[smem:$0x3FD2] =	sst s25  }
0xa6: {  	s4 =	sshll.u32 s26, $0x1;
	_ =	strace $0x80000049;
	[dreg:$0x1] =	wrdreg $0xFFFFFFFF  }
0xa7: {  	s28 =	simm.s32 $_size_execute0_lowered;
	s2 =	sadd.s32 s2, s4;
	[dreg:$0x0] =	wrdreg $0x0  }
0xa8: {  	s4 =	sshll.u32 s28, $0x1;
	[dreg:$0x2] =	wrdreg s2  }
0xa9: {  	[dreg:$0x3] =	wrdreg s4  }
0xaa: {  	[dreg:$0x4] =	wrdreg $0xC0  }
0xab: {  	_ =	task [dreg:s6], $0x5FFFF  }
0xac: {  	[dreg:$0x1] =	wrdreg $0xFFFFFFFF  }
0xad: {  	[dreg:$0x0] =	wrdreg $0x60  }
0xae: {  	[dreg:$0x2] =	wrdreg s24  }
0xaf: {  	[dreg:$0x3] =	wrdreg $0x120000  }
0xb0: {  	[dreg:$0x4] =	wrdreg $0x9  }
0xb1: {  	_ =	task.clear_ibuf [dreg:s6], $0x5FFFF;
	_ =	strace $0x90000049  }
0xb2: {  	s29 =	simm.s32 $0x9;
	_ =	strace $0x8000004B  }
0xb3: {  	_ =	swait.ge [sflag:s29], $0x1  }
0xb4: {  	[sflag:s29] =	ssyncadd.s32 $0xFFFFFFFF  }
0xb5: {  	_ =	strace $0x9000004B  }
0xb6: {  	_ =	sfence  }
0xb7: {  	s30 =	sld [smem:$0x0];
	_ =	sdelay $0x2  }
0xb8: {  	s31 =	sshll.u32 s1, $0xD;
	s1 =	sshrl.u32 s1, $0x2  }
0xb9: {  	s3 =	sand.u32 $0x4000, s31;
	s1 =	sadd.s32 s1, s30  }
0xba: {  	s0 =	sor.u32 s3, s0;
	s1 =	sshll.u32 s1, $0x11  }
0xbb: {  	s0 =	sor.u32 s1, s0  }
0xbc: {  	s0 =	sadd.s32 $0x8F2B, s0  }
0xbd: {  	[sflag:s0] =	ssyncadd.remote.s32 $0x1  }
0xbe: {  	_ =	sfence.sel $0xFFFF  }
0xbf: {  	[dreg:$0x0] =	wrdreg $0xFFFFFFFF;
	(pc) =	sbr.abs _section_cstart, $3  }
0xc0: {  	[dreg:$0x1] =	wrdreg $0xFFFFFFFF  }
0xc1: {  	_ =	task.clear_ibuf [dreg:s6], $0x2FFFF;
	_ =	strace $0x9FFFFFFF  }
0xc2: {  	(tm) =	ssettm $0x7FFFFFFF  }
0xc3: {  	_ =	shalt  }
tec
execute0_lowered:
.L_overlay_start_1:
0x0: {  	(tag) =	ssettag $0x1  }
0x1: {  	s0 =	srdreg.scid  }
0x2: {  	s22 =	stileid.u32;
	s5 =	rddreg [dreg:$0x0]  }
0x3: {  	s14 =	simm.s32 $0x5;
	s17 =	simm.s32 $0x80;
	s18 =	simm.s32 $0xA000  }
0x4: {  	s19 =	simm.s32 $0xE000;
	s20 =	simm.s32 $0x1;
	s7 =	smul.u32 $0xA000, s22  }
0x5: {  	s21 =	simm.s32 $0x3;
	s28 =	simm.s32 $0x9F00;
	s9 =	smul.u32 $0x140, s22  }
0x6: {  	s29 =	simm.s32 $0x9F80;
	s30 =	simm.s32 $0x0;
	s24 =	smul.u32 $0xA00, s22  }
0x7: {  	s1 =	sand.u32 $0x1, s0;
	s4 =	sadd.s32 $0x52400, s5;
	s25 =	smul.u32 $0x5000, s22  }
0x8: {  	s10 =	sadd.s32 $0x3E400, s5;
	s31 =	sshll.u32 s22, $0x6;
	s8 =	smul.u32 $0xA0000, s1  }
0x9: {  	s2 =	sshll.u32 s1, $0x4;
	s11 =	ssub.s32 $0x2, s1;
	s1 =	smul.u32 $0x1400, s1  }
0xa: {  	s15 =	sor.u32 $0x1C05, s31;
	s3 =	sor.u32 s22, s2;
	s2 =	rddreg [dreg:$0x1]  }
0xb: {  	s23 =	sshrl.u32 s11, $0x1;
	s26 =	sshrl.u32 s25, $0x3;
	s22 =	simm.s32 $0x100  }
0xc: {  	s25 =	simm.s32 $0x4;
	s6 =	smul.u32 $0xA00, s3;
	s3 =	simm.s32 $0x0  }
0xd: {  	s8 =	sadd.s32 s7, s8;
	s13 =	ssub.s32 s11, s23;
	s1 =	sadd.s32 s9, s1  }
0xe: {  	s16 =	sadd.s32 s7, s2;
	s7 =	sadd.s32 s10, s24;
	s23 =	simm.s32 $0x2  }
0xf: {  	s24 =	simm.s32 $0x5080;
	[smem:$0x7FF] =	sst s3;
	s8 =	sshrl.u32 s8, $0x3  }
0x10: {  	s1 =	sshll.u32 s1, $0x4;
	s16 =	sshrl.u32 s16, $0x3;
	s6 =	sadd.s32 s6, s5  }
0x11: {  	_ =	strace $0x8000004A;
	s12 =	sadd.s32 s8, s5;
	s5 =	sadd.s32 $0x2400, s6  }
0x12: {  	s6 =	sadd.s32 s4, s1;
	s8 =	sadd.s32 $0xA2400, s12;
	s1 =	sadd.s32 s10, s26  }
0x13: {  	s11 =	sadd.s32 $0xCA400, s12;
	s12 =	smax.u32 s13, $0x1;
	s13 =	simm.s32 $0x5000  }
0x14: {  	s26 =	simm.s32 $0x4F80;
	s9 =	sadd.s32 $0x28000, s6;
	s10 =	sadd.s32 $0xA000, s1  }
.LBB2_1:
0x15: {  	[tilespmem:s13], [sflag:$0x5] =	stream.linear.gather [hbm4b:s5+s3], $0x5000, $0x38;
	[tilespmem:$0x1C040] =	vst v63  }
0x16: {  	_ =	swait.ge [sflag:s14], $0x5000  }
0x17: {  	[sflag:s14] =	ssyncset.done $0x0  }
0x18: {  	[sflag:s14] =	ssyncadd.s32 $0xFFFFB000  }
0x19: {  	[spmem:s16], [sflag:s15] =	dma.local [hbm:s6], $0x1400  }
0x1a: {  	_ =	swait.ge [sflag:s14], $0x1400  }
0x1b: {  	[sflag:s14] =	ssyncset.done $0x0  }
0x1c: {  	[sflag:s14] =	ssyncadd.s32 $0xFFFFEC00  }
0x1d: {  	[tilespmem:s3], [sflag:$0x5] =	stream.linear.gather [hbm4b:s7+s3], $0x5000, $0x38;
	[tilespmem:$0x1C040] =	vst v63  }
0x1e: {  	_ =	swait.ge [sflag:s14], $0x5000  }
0x1f: {  	[sflag:s14] =	ssyncset.done $0x0  }
0x20: {  	[sflag:s14] =	ssyncadd.s32 $0xFFFFB000  }
0x21: {  	[bflag:$0x0] =	sbarrier.arrive $0xFFFF  }
0x22: {  	[tilespmem:s18], [sflag:$0x1] =	stream.indirect.gather [hbm4b:s4+s17], $0x80, s3, s17, $0xb8;
	[tilespmem:$0x1C040] =	vst v63  }
0x23: {  	_ = 	snop  }
0x24: {  	[tilespmem:s19], [sflag:$0x2] =	stream.indirect.gather [hbm4b:s4+s17], $0x80, s17, s17, $0xb8;
	[tilespmem:$0x1C040] =	vst v63  }
0x25: {  	_ =	swait.ge [sflag:s20], $0x4000  }
0x26: {  	[sflag:s20] =	ssyncset.done $0x0  }
0x27: {  	[sflag:s20] =	ssyncadd.s32 $0xFFFFC000  }
0x28: {  	[spmem:s2] =	stream.indirect.scatter.add.f32 [tilespmem:s18], [sflag:$0x3], $0x80, s13, s17, $0xb8;
	[tilespmem:$0x1C040] =	vst v63  }
0x29: {  	_ =	swait.ge [sflag:s21], $0x4000  }
0x2a: {  	[sflag:s21] =	ssyncset.done $0x0  }
0x2b: {  	[sflag:s21] =	ssyncadd.s32 $0xFFFFC000  }
0x2c: {  	[tilespmem:s18], [sflag:$0x1] =	stream.indirect.gather [hbm4b:s4+s17], $0x80, s22, s17, $0xb8;
	[tilespmem:$0x1C040] =	vst v63  }
0x2d: {  	_ =	swait.ge [sflag:s23], $0x4000  }
0x2e: {  	[sflag:s23] =	ssyncset.done $0x0  }
0x2f: {  	[sflag:s23] =	ssyncadd.s32 $0xFFFFC000  }
0x30: {  	[spmem:s2] =	stream.indirect.scatter.add.f32 [tilespmem:s19], [sflag:$0x4], $0x80, s24, s17, $0xb8;
	[tilespmem:$0x1C040] =	vst v63  }
0x31: {  	_ =	swait.ge [sflag:s25], $0x4000  }
0x32: {  	[sflag:s25] =	ssyncset.done $0x0  }
0x33: {  	s1 =	simm.s32 $0x180;
	[sflag:s25] =	ssyncadd.s32 $0xFFFFC000  }
0x34: {  	[tilespmem:s19], [sflag:$0x2] =	stream.indirect.gather [hbm4b:s4+s17], $0x80, s1, s17, $0xb8;
	[tilespmem:$0x1C040] =	vst v63  }
0x35: {  	_ =	swait.ge [sflag:s20], $0x4000  }
0x36: {  	[sflag:s20] =	ssyncset.done $0x0  }
0x37: {  	s0 =	simm.s32 $0x5100;
	[sflag:s20] =	ssyncadd.s32 $0xFFFFC000  }
0x38: {  	[spmem:s2] =	stream.indirect.scatter.add.f32 [tilespmem:s18], [sflag:$0x3], $0x80, s0, s17, $0xb8;
	[tilespmem:$0x1C040] =	vst v63  }
0x39: {  	_ =	swait.ge [sflag:s21], $0x4000  }
0x3a: {  	[sflag:s21] =	ssyncset.done $0x0  }
0x3b: {  	s0 =	simm.s32 $0x200;
	[sflag:s21] =	ssyncadd.s32 $0xFFFFC000  }
0x3c: {  	[tilespmem:s18], [sflag:$0x1] =	stream.indirect.gather [hbm4b:s4+s17], $0x80, s0, s17, $0xb8;
	[tilespmem:$0x1C040] =	vst v63  }
0x3d: {  	_ =	swait.ge [sflag:s23], $0x4000  }
0x3e: {  	[sflag:s23] =	ssyncset.done $0x0  }
0x3f: {  	s31 =	simm.s32 $0xFFFECC00;
	s1 =	simm.s32 $0x5180;
	[sflag:s23] =	ssyncadd.s32 $0xFFFFC000  }
.LBB2_2:
0x40: {  	[spmem:s2] =	stream.indirect.scatter.add.f32 [tilespmem:s19], [sflag:$0x4], $0x80, s1, s17, $0xb8;
	[tilespmem:$0x1C040] =	vst v63  }
0x41: {  	s1 =	smov.u32 s31  }
0x42: {  	p0 =	sne.s32 s31, $0xFFFFFC00;
	s31 =	sadd.s32 $0x400, s31;
	_ =	swait.ge [sflag:s25], $0x4000  }
0x43: {  	s1 =	sshra.s32 s1, $0x2;
	[sflag:s25] =	ssyncset.done $0x0  }
0x44: {  	s0 =	sadd.s32 $0x4F80, s1;
	[sflag:s25] =	ssyncadd.s32 $0xFFFFC000  }
0x45: {  	[tilespmem:s19], [sflag:$0x2] =	stream.indirect.gather [hbm4b:s4+s17], $0x80, s0, s17, $0xb8;
	[tilespmem:$0x1C040] =	vst v63  }
0x46: {  	_ =	swait.ge [sflag:s20], $0x4000  }
0x47: {  	[sflag:s20] =	ssyncset.done $0x0  }
0x48: {  	s0 =	sadd.s32 $0x9F00, s1;
	[sflag:s20] =	ssyncadd.s32 $0xFFFFC000  }
0x49: {  	[spmem:s2] =	stream.indirect.scatter.add.f32 [tilespmem:s18], [sflag:$0x3], $0x80, s0, s17, $0xb8;
	[tilespmem:$0x1C040] =	vst v63  }
0x4a: {  	_ =	swait.ge [sflag:s21], $0x4000  }
0x4b: {  	[sflag:s21] =	ssyncset.done $0x0  }
.Ltmp0:
0x4c: {  	s0 =	sadd.s32 $0x5000, s1;
	[sflag:s21] =	ssyncadd.s32 $0xFFFFC000;
	(pc) =	sbr.rel @p0 .LBB2_2-.Ltmp0, $4  }
0x4d: {  	[tilespmem:s18], [sflag:$0x1] =	stream.indirect.gather [hbm4b:s4+s17], $0x80, s0, s17, $0xb8;
	[tilespmem:$0x1C040] =	vst v63  }
0x4e: {  	_ =	swait.ge [sflag:s23], $0x4000  }
0x4f: {  	[sflag:s23] =	ssyncset.done $0x0  }
0x50: {  	s1 =	sadd.s32 $0x9F80, s1;
	[sflag:s23] =	ssyncadd.s32 $0xFFFFC000  }
0x51: {  	[spmem:s2] =	stream.indirect.scatter.add.f32 [tilespmem:s19], [sflag:$0x4], $0x80, s1, s17, $0xb8;
	[tilespmem:$0x1C040] =	vst v63  }
0x52: {  	_ =	swait.ge [sflag:s25], $0x4000  }
0x53: {  	[sflag:s25] =	ssyncset.done $0x0  }
0x54: {  	[sflag:s25] =	ssyncadd.s32 $0xFFFFC000  }
0x55: {  	[tilespmem:s19], [sflag:$0x2] =	stream.indirect.gather [hbm4b:s4+s17], $0x80, s26, s17, $0xb8;
	[tilespmem:$0x1C040] =	vst v63  }
0x56: {  	_ =	swait.ge [sflag:s20], $0x4000  }
0x57: {  	[sflag:s20] =	ssyncset.done $0x0  }
0x58: {  	[sflag:s20] =	ssyncadd.s32 $0xFFFFC000  }
0x59: {  	[spmem:s2] =	stream.indirect.scatter.add.f32 [tilespmem:s18], [sflag:$0x3], $0x80, s28, s17, $0xb8;
	[tilespmem:$0x1C040] =	vst v63  }
0x5a: {  	_ =	swait.ge [sflag:s23], $0x4000  }
0x5b: {  	[sflag:s23] =	ssyncset.done $0x0  }
0x5c: {  	[sflag:s23] =	ssyncadd.s32 $0xFFFFC000  }
0x5d: {  	[spmem:s2] =	stream.indirect.scatter.add.f32 [tilespmem:s19], [sflag:$0x4], $0x80, s29, s17, $0xb8;
	[tilespmem:$0x1C040] =	vst v63  }
0x5e: {  	_ =	swait.ge [sflag:s21], $0x4000  }
0x5f: {  	[sflag:s21] =	ssyncset.done $0x0  }
0x60: {  	[sflag:s21] =	ssyncadd.s32 $0xFFFFC000  }
0x61: {  	_ =	swait.ge [sflag:s25], $0x4000  }
0x62: {  	[sflag:s25] =	ssyncset.done $0x0  }
0x63: {  	[sflag:s25] =	ssyncadd.s32 $0xFFFFC000  }
0x64: {  	[bflag:$0x0] =	sbarrier.arrive $0xFFFF  }
0x65: {  	[hbm:s8], [sflag:s15] =	dma.local [spmem:s16], $0x1400  }
0x66: {  	_ =	swait.ge [sflag:s14], $0x1400  }
0x67: {  	[sflag:s14] =	ssyncset.done $0x0  }
0x68: {  	[sflag:s14] =	ssyncadd.s32 $0xFFFFEC00  }
0x69: {  	[bflag:$0x0] =	sbarrier.arrive $0xFFFF  }
0x6a: {  	[spmem:s16], [sflag:s15] =	dma.local [hbm:s9], $0x1400  }
0x6b: {  	_ =	swait.ge [sflag:s14], $0x1400  }
0x6c: {  	[sflag:s14] =	ssyncset.done $0x0  }
0x6d: {  	[sflag:s14] =	ssyncadd.s32 $0xFFFFEC00  }
0x6e: {  	[tilespmem:s3], [sflag:$0x5] =	stream.linear.gather [hbm4b:s10+s3], $0x5000, $0x38;
	[tilespmem:$0x1C040] =	vst v63  }
0x6f: {  	_ =	swait.ge [sflag:s14], $0x5000  }
0x70: {  	[sflag:s14] =	ssyncset.done $0x0  }
0x71: {  	[sflag:s14] =	ssyncadd.s32 $0xFFFFB000  }
0x72: {  	[bflag:$0x0] =	sbarrier.arrive $0xFFFF  }
0x73: {  	[tilespmem:s18], [sflag:$0x1] =	stream.indirect.gather [hbm4b:s4+s17], $0x80, s3, s17, $0xb8;
	[tilespmem:$0x1C040] =	vst v63  }
0x74: {  	_ = 	snop  }
0x75: {  	[tilespmem:s19], [sflag:$0x2] =	stream.indirect.gather [hbm4b:s4+s17], $0x80, s17, s17, $0xb8;
	[tilespmem:$0x1C040] =	vst v63  }
0x76: {  	_ =	swait.ge [sflag:s20], $0x4000  }
0x77: {  	[sflag:s20] =	ssyncset.done $0x0  }
0x78: {  	[sflag:s20] =	ssyncadd.s32 $0xFFFFC000  }
0x79: {  	[spmem:s2] =	stream.indirect.scatter.add.f32 [tilespmem:s18], [sflag:$0x3], $0x80, s13, s17, $0xb8;
	[tilespmem:$0x1C040] =	vst v63  }
0x7a: {  	_ =	swait.ge [sflag:s21], $0x4000  }
0x7b: {  	[sflag:s21] =	ssyncset.done $0x0  }
0x7c: {  	[sflag:s21] =	ssyncadd.s32 $0xFFFFC000  }
0x7d: {  	[tilespmem:s18], [sflag:$0x1] =	stream.indirect.gather [hbm4b:s4+s17], $0x80, s22, s17, $0xb8;
	[tilespmem:$0x1C040] =	vst v63  }
0x7e: {  	_ =	swait.ge [sflag:s23], $0x4000  }
0x7f: {  	[sflag:s23] =	ssyncset.done $0x0  }
0x80: {  	[sflag:s23] =	ssyncadd.s32 $0xFFFFC000  }
0x81: {  	[spmem:s2] =	stream.indirect.scatter.add.f32 [tilespmem:s19], [sflag:$0x4], $0x80, s24, s17, $0xb8;
	[tilespmem:$0x1C040] =	vst v63  }
0x82: {  	_ =	swait.ge [sflag:s25], $0x4000  }
0x83: {  	[sflag:s25] =	ssyncset.done $0x0  }
0x84: {  	s0 =	simm.s32 $0x180;
	[sflag:s25] =	ssyncadd.s32 $0xFFFFC000  }
0x85: {  	[tilespmem:s19], [sflag:$0x2] =	stream.indirect.gather [hbm4b:s4+s17], $0x80, s0, s17, $0xb8;
	[tilespmem:$0x1C040] =	vst v63  }
0x86: {  	_ =	swait.ge [sflag:s20], $0x4000  }
0x87: {  	[sflag:s20] =	ssyncset.done $0x0  }
0x88: {  	s1 =	simm.s32 $0x5100;
	[sflag:s20] =	ssyncadd.s32 $0xFFFFC000  }
0x89: {  	[spmem:s2] =	stream.indirect.scatter.add.f32 [tilespmem:s18], [sflag:$0x3], $0x80, s1, s17, $0xb8;
	[tilespmem:$0x1C040] =	vst v63  }
0x8a: {  	_ =	swait.ge [sflag:s21], $0x4000  }
0x8b: {  	[sflag:s21] =	ssyncset.done $0x0  }
0x8c: {  	s1 =	simm.s32 $0x200;
	[sflag:s21] =	ssyncadd.s32 $0xFFFFC000  }
0x8d: {  	[tilespmem:s18], [sflag:$0x1] =	stream.indirect.gather [hbm4b:s4+s17], $0x80, s1, s17, $0xb8;
	[tilespmem:$0x1C040] =	vst v63  }
0x8e: {  	_ =	swait.ge [sflag:s23], $0x4000  }
0x8f: {  	[sflag:s23] =	ssyncset.done $0x0  }
0x90: {  	s31 =	simm.s32 $0xFFFECC00;
	s1 =	simm.s32 $0x5180;
	[sflag:s23] =	ssyncadd.s32 $0xFFFFC000  }
.LBB2_4:
0x91: {  	[spmem:s2] =	stream.indirect.scatter.add.f32 [tilespmem:s19], [sflag:$0x4], $0x80, s1, s17, $0xb8;
	[tilespmem:$0x1C040] =	vst v63  }
0x92: {  	s0 =	smov.u32 s31  }
0x93: {  	p0 =	sne.s32 s31, $0xFFFFFC00;
	s31 =	sadd.s32 $0x400, s31;
	_ =	swait.ge [sflag:s25], $0x4000  }
0x94: {  	s0 =	sshra.s32 s0, $0x2;
	[sflag:s25] =	ssyncset.done $0x0  }
0x95: {  	s1 =	sadd.s32 $0x4F80, s0;
	[sflag:s25] =	ssyncadd.s32 $0xFFFFC000  }
0x96: {  	[tilespmem:s19], [sflag:$0x2] =	stream.indirect.gather [hbm4b:s4+s17], $0x80, s1, s17, $0xb8;
	[tilespmem:$0x1C040] =	vst v63  }
0x97: {  	_ =	swait.ge [sflag:s20], $0x4000  }
0x98: {  	[sflag:s20] =	ssyncset.done $0x0  }
0x99: {  	s1 =	sadd.s32 $0x9F00, s0;
	[sflag:s20] =	ssyncadd.s32 $0xFFFFC000  }
0x9a: {  	[spmem:s2] =	stream.indirect.scatter.add.f32 [tilespmem:s18], [sflag:$0x3], $0x80, s1, s17, $0xb8;
	[tilespmem:$0x1C040] =	vst v63  }
0x9b: {  	_ =	swait.ge [sflag:s21], $0x4000  }
0x9c: {  	[sflag:s21] =	ssyncset.done $0x0  }
.Ltmp1:
0x9d: {  	s1 =	sadd.s32 $0x5000, s0;
	[sflag:s21] =	ssyncadd.s32 $0xFFFFC000;
	(pc) =	sbr.rel @p0 .LBB2_4-.Ltmp1, $4  }
0x9e: {  	[tilespmem:s18], [sflag:$0x1] =	stream.indirect.gather [hbm4b:s4+s17], $0x80, s1, s17, $0xb8;
	[tilespmem:$0x1C040] =	vst v63  }
0x9f: {  	_ =	swait.ge [sflag:s23], $0x4000  }
0xa0: {  	[sflag:s23] =	ssyncset.done $0x0  }
0xa1: {  	s1 =	sadd.s32 $0x9F80, s0;
	[sflag:s23] =	ssyncadd.s32 $0xFFFFC000  }
0xa2: {  	[spmem:s2] =	stream.indirect.scatter.add.f32 [tilespmem:s19], [sflag:$0x4], $0x80, s1, s17, $0xb8;
	[tilespmem:$0x1C040] =	vst v63  }
0xa3: {  	_ =	swait.ge [sflag:s25], $0x4000  }
0xa4: {  	[sflag:s25] =	ssyncset.done $0x0  }
0xa5: {  	[sflag:s25] =	ssyncadd.s32 $0xFFFFC000  }
0xa6: {  	[tilespmem:s19], [sflag:$0x2] =	stream.indirect.gather [hbm4b:s4+s17], $0x80, s26, s17, $0xb8;
	[tilespmem:$0x1C040] =	vst v63  }
0xa7: {  	_ =	swait.ge [sflag:s20], $0x4000  }
0xa8: {  	[sflag:s20] =	ssyncset.done $0x0  }
0xa9: {  	[sflag:s20] =	ssyncadd.s32 $0xFFFFC000  }
0xaa: {  	[spmem:s2] =	stream.indirect.scatter.add.f32 [tilespmem:s18], [sflag:$0x3], $0x80, s28, s17, $0xb8;
	[tilespmem:$0x1C040] =	vst v63  }
0xab: {  	_ =	swait.ge [sflag:s23], $0x4000  }
0xac: {  	[sflag:s23] =	ssyncset.done $0x0  }
0xad: {  	[sflag:s23] =	ssyncadd.s32 $0xFFFFC000  }
0xae: {  	[spmem:s2] =	stream.indirect.scatter.add.f32 [tilespmem:s19], [sflag:$0x4], $0x80, s29, s17, $0xb8;
	[tilespmem:$0x1C040] =	vst v63  }
0xaf: {  	_ =	swait.ge [sflag:s21], $0x4000  }
0xb0: {  	[sflag:s21] =	ssyncset.done $0x0  }
0xb1: {  	[sflag:s21] =	ssyncadd.s32 $0xFFFFC000  }
0xb2: {  	_ =	swait.ge [sflag:s25], $0x4000  }
0xb3: {  	s30 =	sadd.s32 $0x1, s30;
	[sflag:s25] =	ssyncset.done $0x0  }
0xb4: {  	p0 =	sne.s32 s30, s12;
	[sflag:s25] =	ssyncadd.s32 $0xFFFFC000  }
.Ltmp2:
0xb5: {  	[bflag:$0x0] =	sbarrier.arrive $0xFFFF;
	(pc) =	sbr.rel @p0 .LBB2_1-.Ltmp2, $4  }
0xb6: {  	[hbm:s11], [sflag:s15] =	dma.local [spmem:s16], $0x1400  }
0xb7: {  	_ =	swait.ge [sflag:s14], $0x1400  }
0xb8: {  	[sflag:s14] =	ssyncset.done $0x0  }
0xb9: {  	[sflag:s14] =	ssyncadd.s32 $0xFFFFEC00  }
0xba: {  	_ =	sfence.sel $0x180000  }
0xbb: {  	[bflag:$0x0] =	sbarrier.arrive $0xFFFF  }
0xbc: {  	_ =	strace $0x9000004A  }
0xbd: {  	s0 =	stileid.u32;
	[bflag:$0x2] =	sbarrier.arrive $0xFFFF  }
0xbe: {  	p0 =	sne.s32 s0, $0x0;
	s0 =	rddreg [dreg:$0x2]  }
0xbf: {  	s0 =	sadd.s32 @!p0 $0x100000, s0  }
0xc0: {  	[sflag:s0] =	ssyncadd.tile.s32 @!p0 $0x1;
	_ =	shalt  }
.Lfunc_end2:
_tile_overlayer_lowered:
.L_overlay_start_2:
0xc1: {  	(tag) =	ssettag $0x2  }
0xc2: {  	s0 =	rddreg [dreg:$0x0];
	s2 =	stileid.u32  }
0xc3: {  	s1 =	rddreg [dreg:$0x1];
	p0 =	sne.s32 s2, $0x0  }
0xc4: {  	s3 =	rddreg [dreg:$0x2];
	[bflag:$0x3] =	sbarrier.arrive $0xFFFF;
	s2 =	simm.s32 @!p0 $0x1C05  }
0xc5: {  	[timem:s3], [sflag:s2] =	dma.local @!p0 [hbm:s0], s1  }
0xc6: {  	s0 =	simm.s32 @!p0 $0x5  }
0xc7: {  	_ =	swait.ge @!p0 [sflag:s0], s1  }
0xc8: {  	s1 =	ssub.s32 @!p0 $0x0, s1;
	[sflag:s0] =	ssyncset.done @!p0 $0x0  }
0xc9: {  	[sflag:s0] =	ssyncadd.s32 @!p0 s1  }
0xca: {  	[bflag:$0x3] =	sbarrier.arrive $0xFFFF  }
0xcb: {  	_ =	shalt  }

// kernel: kernel.14.cloned.1.call-start
scs
__scs_entry_jumppad:
0x0: {  	(pc) =	sbr.rel $0x88, $3  }
0x1: {  	(tag) =	ssettag $0x0;
	lr =	simm.s32 $0x1  }
0x2: {  	[smem:$0x3F9B] =	sst lr;
	_ =	strace $0xD0000000  }
0x3: {  	_ = 	snop  }
0x4: {  	_ = 	snop  }
0x5: {  	_ = 	snop  }
0x6: {  	_ = 	snop  }
0x7: {  	_ = 	snop  }
__scs_overlays_trampoline_lowered:
0x8: {  	[smem:$0x3FAA] =	sst s0  }
0x9: {  	[smem:$0x3FAB] =	sst s1  }
0xa: {  	[smem:$0x3FAC] =	sst s2  }
0xb: {  	[smem:$0x3FAD] =	sst s3  }
0xc: {  	[smem:$0x3FAE] =	sst s4  }
0xd: {  	[smem:$0x3FAF] =	sst s5  }
0xe: {  	[smem:$0x3FB0] =	sst s6  }
0xf: {  	[smem:$0x3FB1] =	sst s7  }
0x10: {  	[smem:$0x3FB2] =	sst s8  }
0x11: {  	[smem:$0x3FB3] =	sst s9;
	s0 =	simm.s32 @!p0 $0x0  }
0x12: {  	s1 =	sld [smem:$0x3F99];
	s0 =	simm.s32 @p0 $0x1  }
0x13: {  	[smem:$0x3FB4] =	sst s0;
	s0 =	simm.s32 @!p1 $0x0  }
0x14: {  	s2 =	sld [smem:$0x3F98];
	s0 =	simm.s32 @p1 $0x1  }
0x15: {  	[smem:$0x3FB5] =	sst s0;
	s0 =	simm.s32 @!p2 $0x0  }
0x16: {  	s3 =	sld [smem:$0x3FDB];
	s0 =	simm.s32 @p2 $0x1  }
0x17: {  	s4 =	simm.s32 $0x1BF5;
	[smem:$0x3FB7] =	sst s0  }
0x18: {  	s0 =	sld [smem:$0x3F9A];
	_ =	swait.ge [sflag:s4], $0x0  }
0x19: {  	s7 =	sld [smem:$0x3F9B]  }
0x1a: {  	s8 =	sadd.s32 $0xFFFFE003, lr  }
0x1b: {  	s9 =	sadd.s32 $0xFFFFFEF7, lr;
	s5 =	simm.s32 $0xFFFFFFFF;
	p2 =	slt.u32 s8, $0xFFFFF086  }
0x1c: {  	p1 =	slt.u32 s9, $0xF7A;
	s5 =	simm.s32 @!p2 $0x0  }
0x1d: {  	s5 =	simm.s32 @p1 $0x1;
	p0 =	seq.s32 s7, s2  }
0x1e: {  	s7 =	smul.u32 @!p0 $0xF7A, s2;
	p2 =	seq.s32 @!p0 s5, $0x0  }
0x1f: {  	s9 =	smul.u32 $0xF7A, s1;
	s8 =	simm.s32 @!p0 $0x1BF5;
	p2 =	por !p2, p0  }
0x20: {  	[sflag:s8] =	ssyncset.s32 @!p0 $0xFFFFF086;
	s6 =	sadd.s32 @!p0 s3, s7;
	s7 =	simm.s32 @!p0 $0x108  }
0x21: {  	s3 =	sadd.s32 s3, s9;
	s6 =	sadd.s32 @!p0 $0x88, s6;
	s7 =	simm.s32 @p2 $0x1082  }
0x22: {  	[simem:s7], [sflag:s8] =	dma.local @!p0 [hbm:s6], $0xF7A  }
0x23: {  	s9 =	sor.u32 $0xD0000000, s2;
	s6 =	simm.s32 $0x108;
	_ =	swait.ge @!p0 [sflag:s8], $0x0  }
0x24: {  	s3 =	sadd.s32 $0x88, s3;
	s6 =	simm.s32 @!p1 $0x1082;
	[sflag:s4] =	ssyncset.s32 $0xFFFFF086  }
0x25: {  	[simem:s6], [sflag:s4] =	dma.local [hbm:s3], $0xF7A  }
0x26: {  	[smem:$0x3F9B] =	sst s1;
	(tag) =	ssettag s2;
	_ =	strace s9  }
0x27: {  	s1 =	sld [smem:$0x3FAB]  }
0x28: {  	s2 =	sld [smem:$0x3FAC]  }
0x29: {  	s4 =	sld [smem:$0x3FAE]  }
0x2a: {  	p0 =	seq.s32 s5, $0x0;
	s5 =	sld [smem:$0x3FAF]  }
0x2b: {  	s6 =	sld [smem:$0x3FB0]  }
0x2c: {  	s7 =	sld [smem:$0x3FB1]  }
0x2d: {  	s3 =	simm.s32 $0x108;
	s8 =	sld [smem:$0x3FB2]  }
0x2e: {  	s3 =	simm.s32 @!p0 $0x1082;
	s9 =	sld [smem:$0x3FB3]  }
0x2f: {  	lr =	sadd.s32 s0, s3;
	s0 =	sld [smem:$0x3FAA]  }
0x30: {  	s3 =	sld [smem:$0x3FAD]  }
0x31: {  	[smem:$0x3FB6] =	sst s10  }
0x32: {  	s10 =	sld [smem:$0x3FB4];
	_ =	sdelay $0x3  }
0x33: {  	p0 =	seq.s32 s10, $0x1;
	s10 =	sld [smem:$0x3FB6];
	_ =	sdelay $0x3  }
0x34: {  	[smem:$0x3FB6] =	sst s10  }
0x35: {  	s10 =	sld [smem:$0x3FB5];
	_ =	sdelay $0x3  }
0x36: {  	p1 =	seq.s32 s10, $0x1;
	s10 =	sld [smem:$0x3FB6];
	_ =	sdelay $0x3  }
0x37: {  	[smem:$0x3FB6] =	sst s10  }
0x38: {  	s10 =	sld [smem:$0x3FB7]  }
0x39: {  	_ = 	snop;
	(pc) =	sbr.ind lr, $3  }
0x3a: {  	_ = 	snop  }
0x3b: {  	_ = 	snop  }
0x3c: {  	p2 =	seq.s32 s10, $0x1;
	s10 =	sld [smem:$0x3FB6]  }
0x3d: {  	_ =	shalt  }
0x3e: {  	_ =	shalt  }
0x3f: {  	_ =	shalt  }
0x40: {  	_ =	shalt  }
0x41: {  	_ =	shalt  }
0x42: {  	_ =	shalt  }
0x43: {  	_ =	shalt  }
0x44: {  	_ =	shalt  }
0x45: {  	_ =	shalt  }
0x46: {  	_ =	shalt  }
0x47: {  	_ =	shalt  }
0x48: {  	_ =	shalt  }
0x49: {  	_ =	shalt  }
0x4a: {  	_ =	shalt  }
0x4b: {  	_ =	shalt  }
0x4c: {  	_ =	shalt  }
0x4d: {  	_ =	shalt  }
0x4e: {  	_ =	shalt  }
0x4f: {  	_ =	shalt  }
0x50: {  	_ =	shalt  }
0x51: {  	_ =	shalt  }
0x52: {  	_ =	shalt  }
0x53: {  	_ =	shalt  }
0x54: {  	_ =	shalt  }
0x55: {  	_ =	shalt  }
0x56: {  	_ =	shalt  }
0x57: {  	_ =	shalt  }
0x58: {  	_ =	shalt  }
0x59: {  	_ =	shalt  }
0x5a: {  	_ =	shalt  }
0x5b: {  	_ =	shalt  }
0x5c: {  	_ =	shalt  }
0x5d: {  	_ =	shalt  }
0x5e: {  	_ =	shalt  }
0x5f: {  	_ =	shalt  }
0x60: {  	_ =	shalt  }
0x61: {  	_ =	shalt  }
0x62: {  	_ =	shalt  }
0x63: {  	_ =	shalt  }
0x64: {  	_ =	shalt  }
0x65: {  	_ =	shalt  }
0x66: {  	_ =	shalt  }
0x67: {  	_ =	shalt  }
0x68: {  	_ =	shalt  }
0x69: {  	_ =	shalt  }
0x6a: {  	_ =	shalt  }
0x6b: {  	_ =	shalt  }
0x6c: {  	_ =	shalt  }
0x6d: {  	_ =	shalt  }
0x6e: {  	_ =	shalt  }
0x6f: {  	_ =	shalt  }
0x70: {  	_ =	shalt  }
0x71: {  	_ =	shalt  }
0x72: {  	_ =	shalt  }
0x73: {  	_ =	shalt  }
0x74: {  	_ =	shalt  }
0x75: {  	_ =	shalt  }
0x76: {  	_ =	shalt  }
0x77: {  	_ =	shalt  }
0x78: {  	_ =	shalt  }
0x79: {  	_ =	shalt  }
0x7a: {  	_ =	shalt  }
0x7b: {  	_ =	shalt  }
0x7c: {  	_ =	shalt  }
0x7d: {  	_ =	shalt  }
0x7e: {  	_ =	shalt  }
0x7f: {  	_ =	shalt  }
0x80: {  	_ =	shalt  }
0x81: {  	_ =	shalt  }
0x82: {  	_ =	shalt  }
0x83: {  	_ =	shalt  }
0x84: {  	_ =	shalt  }
0x85: {  	_ =	shalt  }
0x86: {  	_ =	shalt  }
0x87: {  	_ =	shalt  }
.Lfunc_end0:
.L_simem_size_0:
called_computation.2_lowered:
.L_overlay_start_0:
0x88: {  	s2 =	sld [smem:$0x3FD9]  }
0x89: {  	s3 =	sld [smem:$0x3FFE];
	_ =	sdelay $0x1  }
0x8a: {  	s1 =	srdreg.scid  }
0x8b: {  	s0 =	sand.u32 $0x1, s1  }
0x8c: {  	s14 =	sshll.u32 s0, $0xA;
	s2 =	sadd.s32 s3, s2  }
0x8d: {  	s2 =	sadd.s32 s2, s14  }
0x8e: {  	[smem:$0x3FC2] =	sst s2  }
0x8f: {  	_ = 	snop  }
0x90: {  	s2 =	sld [smem:$0x3FD0];
	_ =	sdelay $0x2  }
0x91: {  	s15 =	simm.s32 $0xA;
	s4 =	simm.s32 $0x10  }
0x92: {  	[smem:s4], [sflag:s15] =	dma.local [hbm:s2], $0x1  }
0x93: {  	_ =	swait.eq [sflag:s15], $0x1  }
0x94: {  	[sflag:s15] =	ssyncset.done $0x0  }
0x95: {  	[sflag:s15] =	ssyncadd.s32 $0xFFFFFFFF  }
0x96: {  	s16 =	sld [smem:$0x10];
	(tm) =	ssettm $0x1  }
0x97: {  	s17 =	sld [smem:$0x3FFB];
	_ =	sdelay $0x3  }
0x98: {  	_ =	strace s17  }
0x99: {  	s3 =	sld [smem:$0x3FFC];
	_ =	sdelay $0x3  }
0x9a: {  	_ =	strace s3  }
0x9b: {  	s3 =	sld [smem:$0x3FFD];
	_ =	sdelay $0x3  }
0x9c: {  	_ =	strace s3  }
0x9d: {  	_ =	strace $0x8FFFFFFF  }
0x9e: {  	s18 =	sld [smem:$0x3FDB];
	_ =	sdelay $0x1  }
0x9f: {  	s19 =	simm.s32 $_scs_section_size  }
0xa0: {  	s5 =	simm.s32 $_size__tile_overlayer_lowered;
	s6 =	simm.s32 $_tile_overlayer_lowered  }
0xa1: {  	s22 =	simm.s32 $0x1BFF;
	s21 =	sshll.u32 s6, $0x1;
	s3 =	sadd.s32 s19, s18  }
0xa2: {  	s7 =	simm.s32 $0x0;
	s20 =	sshll.u32 s5, $0x1;
	s5 =	sadd.s32 s21, s3  }
0xa3: {  	[timem:s7], [sflag:s22] =	dma.local [hbm:s5], s20  }
0xa4: {  	_ =	swait.ge [sflag:s22], s20  }
0xa5: {  	s4 =	ssub.s32 $0x0, s20;
	[sflag:s22] =	ssyncset.done $0x0  }
0xa6: {  	[sflag:s22] =	ssyncadd.s32 s4;
	_ =	sdelay $0x1  }
0xa7: {  	s23 =	simm.s32 $0x1B8B  }
0xa8: {  	_ =	swait.ge [sflag:s23], $0x1  }
0xa9: {  	[sflag:s23] =	ssyncset.done $0x0  }
0xaa: {  	s25 =	simm.s32 $0x1B8E;
	s24 =	sld [smem:$0x3FFE];
	[sflag:s23] =	ssyncadd.s32 $0xFFFFFFFF  }
0xab: {  	s26 =	simm.s32 $execute0_lowered;
	[smem:$0x3FD2] =	sst s25  }
0xac: {  	s5 =	sshll.u32 s26, $0x1;
	_ =	strace $0x8000004C;
	[dreg:$0x1] =	wrdreg $0xFFFFFFFF  }
0xad: {  	s28 =	simm.s32 $_size_execute0_lowered;
	s3 =	sadd.s32 s3, s5;
	[dreg:$0x0] =	wrdreg $0x0  }
0xae: {  	s5 =	sshll.u32 s28, $0x1;
	[dreg:$0x2] =	wrdreg s3  }
0xaf: {  	[dreg:$0x3] =	wrdreg s5  }
0xb0: {  	[dreg:$0x4] =	wrdreg $0xC0  }
0xb1: {  	_ =	task [dreg:s7], $0x5FFFF  }
0xb2: {  	[dreg:$0x1] =	wrdreg $0xFFFFFFFF  }
0xb3: {  	[dreg:$0x0] =	wrdreg $0x60  }
0xb4: {  	[dreg:$0x2] =	wrdreg s24  }
0xb5: {  	[dreg:$0x3] =	wrdreg s16  }
0xb6: {  	[dreg:$0x4] =	wrdreg $0x120000  }
0xb7: {  	[dreg:$0x5] =	wrdreg $0x9  }
0xb8: {  	_ =	task.clear_ibuf [dreg:s7], $0x6FFFF;
	_ =	strace $0x9000004C  }
0xb9: {  	s29 =	simm.s32 $0x9;
	_ =	strace $0x8000004E  }
0xba: {  	_ =	swait.ge [sflag:s29], $0x1  }
0xbb: {  	[sflag:s29] =	ssyncadd.s32 $0xFFFFFFFF  }
0xbc: {  	_ =	strace $0x9000004E  }
0xbd: {  	_ =	sfence  }
0xbe: {  	s30 =	sld [smem:$0x0];
	_ =	sdelay $0x2  }
0xbf: {  	s31 =	sshll.u32 s1, $0xD;
	s1 =	sshrl.u32 s1, $0x2  }
0xc0: {  	s3 =	sand.u32 $0x4000, s31;
	s1 =	sadd.s32 s1, s30  }
0xc1: {  	s0 =	sor.u32 s3, s0;
	s1 =	sshll.u32 s1, $0x11  }
0xc2: {  	s0 =	sor.u32 s1, s0  }
0xc3: {  	s0 =	sadd.s32 $0x8F2B, s0  }
0xc4: {  	[sflag:s0] =	ssyncadd.remote.s32 $0x1  }
0xc5: {  	_ =	sfence.sel $0xFFFF  }
0xc6: {  	[dreg:$0x0] =	wrdreg $0xFFFFFFFF;
	(pc) =	sbr.abs _section_cstart, $3  }
0xc7: {  	[dreg:$0x1] =	wrdreg $0xFFFFFFFF  }
0xc8: {  	_ =	task.clear_ibuf [dreg:s7], $0x2FFFF;
	_ =	strace $0x9FFFFFFF  }
0xc9: {  	(tm) =	ssettm $0x7FFFFFFF  }
tec
execute0_lowered:
.L_overlay_start_1:
0x0: {  	(tag) =	ssettag $0x1  }
0x1: {  	s5 =	rddreg [dreg:$0x0]  }
0x2: {  	s7 =	rddreg [dreg:$0x1]  }
0x3: {  	s2 =	rddreg [dreg:$0x2];
	s3 =	srdreg.scid  }
0x4: {  	s0 =	rddreg [dreg:$0x3];
	s1 =	stileid.u32  }
0x5: {  	s15 =	simm.s32 $0xA000;
	s16 =	simm.s32 $0xE000;
	s17 =	simm.s32 $0x1  }
0x6: {  	s18 =	simm.s32 $0x3;
	s19 =	simm.s32 $0x100;
	s20 =	simm.s32 $0x2  }
0x7: {  	s21 =	simm.s32 $0x5080;
	s22 =	simm.s32 $0x4;
	s23 =	simm.s32 $0x4F80  }
0x8: {  	s24 =	simm.s32 $0x9F00;
	s25 =	simm.s32 $0x9F80;
	s8 =	smul.u32 $0xA000, s1  }
0x9: {  	s26 =	simm.s32 $0x0;
	s6 =	sand.u32 $0x1, s3;
	s12 =	smul.u32 $0x1400, s1  }
0xa: {  	s3 =	simm.s32 $0x0;
	s30 =	smul.u32 $0xA00, s1;
	s31 =	sshll.u32 s1, $0x6  }
0xb: {  	s4 =	sshll.u32 s6, $0x4;
	[smem:$0x7FF] =	sst s3;
	s9 =	smul.u32 $0xA0000, s6  }
0xc: {  	s11 =	smul.u32 $0x14000, s6;
	s6 =	ssub.s32 $0x2, s6;
	s4 =	sor.u32 s1, s4  }
0xd: {  	_ =	strace $0x8000004D;
	s28 =	sshrl.u32 s6, $0x1;
	s14 =	sadd.s32 s8, s2  }
0xe: {  	s7 =	sadd.s32 s7, s30;
	s10 =	smul.u32 $0xA00, s4;
	s4 =	sadd.s32 $0x16400, s5  }
0xf: {  	s9 =	sadd.s32 s8, s9;
	s13 =	ssub.s32 s6, s28;
	s29 =	sadd.s32 s12, s11  }
0x10: {  	s11 =	simm.s32 $0x5;
	s12 =	sor.u32 $0x1C05, s31;
	s9 =	sshrl.u32 s9, $0x3  }
0x11: {  	s6 =	sadd.s32 s4, s29;
	s10 =	sadd.s32 s10, s5;
	s9 =	sadd.s32 s9, s5  }
0x12: {  	s5 =	sadd.s32 $0x2400, s10;
	s8 =	sadd.s32 $0x3E400, s9;
	s9 =	smax.u32 s13, $0x1  }
0x13: {  	s10 =	simm.s32 $0x5000;
	s13 =	sshrl.u32 s14, $0x3;
	s14 =	simm.s32 $0x80  }
.LBB2_1:
0x14: {  	[tilespmem:s10], [sflag:$0x5] =	stream.linear.gather [hbm4b:s5+s3], $0x5000, $0x38;
	[tilespmem:$0x1C040] =	vst v63  }
0x15: {  	_ =	swait.ge [sflag:s11], $0x5000  }
0x16: {  	[sflag:s11] =	ssyncset.done $0x0  }
0x17: {  	[sflag:s11] =	ssyncadd.s32 $0xFFFFB000  }
0x18: {  	[spmem:s13], [sflag:s12] =	dma.local [hbm:s6], $0x1400  }
0x19: {  	_ =	swait.ge [sflag:s11], $0x1400  }
0x1a: {  	[sflag:s11] =	ssyncset.done $0x0  }
0x1b: {  	[sflag:s11] =	ssyncadd.s32 $0xFFFFEC00  }
0x1c: {  	[tilespmem:s3], [sflag:$0x5] =	stream.linear.gather [hbm4b:s7+s3], $0x5000, $0x38;
	[tilespmem:$0x1C040] =	vst v63  }
0x1d: {  	_ =	swait.ge [sflag:s11], $0x5000  }
0x1e: {  	[sflag:s11] =	ssyncset.done $0x0  }
0x1f: {  	[sflag:s11] =	ssyncadd.s32 $0xFFFFB000  }
0x20: {  	[bflag:$0x0] =	sbarrier.arrive $0xFFFF  }
0x21: {  	[tilespmem:s15], [sflag:$0x1] =	stream.indirect.gather [hbm4b:s4+s14], $0x80, s3, s14, $0xb8;
	[tilespmem:$0x1C040] =	vst v63  }
0x22: {  	_ = 	snop  }
0x23: {  	[tilespmem:s16], [sflag:$0x2] =	stream.indirect.gather [hbm4b:s4+s14], $0x80, s14, s14, $0xb8;
	[tilespmem:$0x1C040] =	vst v63  }
0x24: {  	_ =	swait.ge [sflag:s17], $0x4000  }
0x25: {  	[sflag:s17] =	ssyncset.done $0x0  }
0x26: {  	[sflag:s17] =	ssyncadd.s32 $0xFFFFC000  }
0x27: {  	[spmem:s2] =	stream.indirect.scatter.add.f32 [tilespmem:s15], [sflag:$0x3], $0x80, s10, s14, $0xb8;
	[tilespmem:$0x1C040] =	vst v63  }
0x28: {  	_ =	swait.ge [sflag:s18], $0x4000  }
0x29: {  	[sflag:s18] =	ssyncset.done $0x0  }
0x2a: {  	[sflag:s18] =	ssyncadd.s32 $0xFFFFC000  }
0x2b: {  	[tilespmem:s15], [sflag:$0x1] =	stream.indirect.gather [hbm4b:s4+s14], $0x80, s19, s14, $0xb8;
	[tilespmem:$0x1C040] =	vst v63  }
0x2c: {  	_ =	swait.ge [sflag:s20], $0x4000  }
0x2d: {  	[sflag:s20] =	ssyncset.done $0x0  }
0x2e: {  	[sflag:s20] =	ssyncadd.s32 $0xFFFFC000  }
0x2f: {  	[spmem:s2] =	stream.indirect.scatter.add.f32 [tilespmem:s16], [sflag:$0x4], $0x80, s21, s14, $0xb8;
	[tilespmem:$0x1C040] =	vst v63  }
0x30: {  	_ =	swait.ge [sflag:s22], $0x4000  }
0x31: {  	[sflag:s22] =	ssyncset.done $0x0  }
0x32: {  	s28 =	simm.s32 $0x180;
	[sflag:s22] =	ssyncadd.s32 $0xFFFFC000  }
0x33: {  	[tilespmem:s16], [sflag:$0x2] =	stream.indirect.gather [hbm4b:s4+s14], $0x80, s28, s14, $0xb8;
	[tilespmem:$0x1C040] =	vst v63  }
0x34: {  	_ =	swait.ge [sflag:s17], $0x4000  }
0x35: {  	[sflag:s17] =	ssyncset.done $0x0  }
0x36: {  	s28 =	simm.s32 $0x5100;
	[sflag:s17] =	ssyncadd.s32 $0xFFFFC000  }
0x37: {  	[spmem:s2] =	stream.indirect.scatter.add.f32 [tilespmem:s15], [sflag:$0x3], $0x80, s28, s14, $0xb8;
	[tilespmem:$0x1C040] =	vst v63  }
0x38: {  	_ =	swait.ge [sflag:s18], $0x4000  }
0x39: {  	[sflag:s18] =	ssyncset.done $0x0  }
0x3a: {  	s28 =	simm.s32 $0x200;
	[sflag:s18] =	ssyncadd.s32 $0xFFFFC000  }
0x3b: {  	[tilespmem:s15], [sflag:$0x1] =	stream.indirect.gather [hbm4b:s4+s14], $0x80, s28, s14, $0xb8;
	[tilespmem:$0x1C040] =	vst v63  }
0x3c: {  	_ =	swait.ge [sflag:s20], $0x4000  }
0x3d: {  	[sflag:s20] =	ssyncset.done $0x0  }
0x3e: {  	s29 =	simm.s32 $0x5180;
	s28 =	simm.s32 $0xFFFECC00;
	[sflag:s20] =	ssyncadd.s32 $0xFFFFC000  }
.LBB2_2:
0x3f: {  	[spmem:s2] =	stream.indirect.scatter.add.f32 [tilespmem:s16], [sflag:$0x4], $0x80, s29, s14, $0xb8;
	[tilespmem:$0x1C040] =	vst v63  }
0x40: {  	s29 =	smov.u32 s28  }
0x41: {  	p0 =	sne.s32 s28, $0xFFFFFC00;
	s28 =	sadd.s32 $0x400, s28;
	_ =	swait.ge [sflag:s22], $0x4000  }
0x42: {  	s29 =	sshra.s32 s29, $0x2;
	[sflag:s22] =	ssyncset.done $0x0  }
0x43: {  	s30 =	sadd.s32 $0x4F80, s29;
	[sflag:s22] =	ssyncadd.s32 $0xFFFFC000  }
0x44: {  	[tilespmem:s16], [sflag:$0x2] =	stream.indirect.gather [hbm4b:s4+s14], $0x80, s30, s14, $0xb8;
	[tilespmem:$0x1C040] =	vst v63  }
0x45: {  	_ =	swait.ge [sflag:s17], $0x4000  }
0x46: {  	[sflag:s17] =	ssyncset.done $0x0  }
0x47: {  	s30 =	sadd.s32 $0x9F00, s29;
	[sflag:s17] =	ssyncadd.s32 $0xFFFFC000  }
0x48: {  	[spmem:s2] =	stream.indirect.scatter.add.f32 [tilespmem:s15], [sflag:$0x3], $0x80, s30, s14, $0xb8;
	[tilespmem:$0x1C040] =	vst v63  }
0x49: {  	_ =	swait.ge [sflag:s18], $0x4000  }
0x4a: {  	[sflag:s18] =	ssyncset.done $0x0  }
.Ltmp0:
0x4b: {  	s30 =	sadd.s32 $0x5000, s29;
	[sflag:s18] =	ssyncadd.s32 $0xFFFFC000;
	(pc) =	sbr.rel @p0 .LBB2_2-.Ltmp0, $4  }
0x4c: {  	[tilespmem:s15], [sflag:$0x1] =	stream.indirect.gather [hbm4b:s4+s14], $0x80, s30, s14, $0xb8;
	[tilespmem:$0x1C040] =	vst v63  }
0x4d: {  	_ =	swait.ge [sflag:s20], $0x4000  }
0x4e: {  	[sflag:s20] =	ssyncset.done $0x0  }
0x4f: {  	s29 =	sadd.s32 $0x9F80, s29;
	[sflag:s20] =	ssyncadd.s32 $0xFFFFC000  }
0x50: {  	[spmem:s2] =	stream.indirect.scatter.add.f32 [tilespmem:s16], [sflag:$0x4], $0x80, s29, s14, $0xb8;
	[tilespmem:$0x1C040] =	vst v63  }
0x51: {  	_ =	swait.ge [sflag:s22], $0x4000  }
0x52: {  	[sflag:s22] =	ssyncset.done $0x0  }
0x53: {  	[sflag:s22] =	ssyncadd.s32 $0xFFFFC000  }
0x54: {  	[tilespmem:s16], [sflag:$0x2] =	stream.indirect.gather [hbm4b:s4+s14], $0x80, s23, s14, $0xb8;
	[tilespmem:$0x1C040] =	vst v63  }
0x55: {  	_ =	swait.ge [sflag:s17], $0x4000  }
0x56: {  	[sflag:s17] =	ssyncset.done $0x0  }
0x57: {  	[sflag:s17] =	ssyncadd.s32 $0xFFFFC000  }
0x58: {  	[spmem:s2] =	stream.indirect.scatter.add.f32 [tilespmem:s15], [sflag:$0x3], $0x80, s24, s14, $0xb8;
	[tilespmem:$0x1C040] =	vst v63  }
0x59: {  	_ =	swait.ge [sflag:s20], $0x4000  }
0x5a: {  	[sflag:s20] =	ssyncset.done $0x0  }
0x5b: {  	[sflag:s20] =	ssyncadd.s32 $0xFFFFC000  }
0x5c: {  	[spmem:s2] =	stream.indirect.scatter.add.f32 [tilespmem:s16], [sflag:$0x4], $0x80, s25, s14, $0xb8;
	[tilespmem:$0x1C040] =	vst v63  }
0x5d: {  	_ =	swait.ge [sflag:s18], $0x4000  }
0x5e: {  	[sflag:s18] =	ssyncset.done $0x0  }
0x5f: {  	[sflag:s18] =	ssyncadd.s32 $0xFFFFC000  }
0x60: {  	_ =	swait.ge [sflag:s22], $0x4000  }
0x61: {  	s26 =	sadd.s32 $0x1, s26;
	[sflag:s22] =	ssyncset.done $0x0  }
0x62: {  	p0 =	sne.s32 s26, s9;
	[sflag:s22] =	ssyncadd.s32 $0xFFFFC000  }
.Ltmp1:
0x63: {  	[bflag:$0x0] =	sbarrier.arrive $0xFFFF;
	(pc) =	sbr.rel @p0 .LBB2_1-.Ltmp1, $4  }
0x64: {  	[hbm:s8], [sflag:s12] =	dma.local [spmem:s13], $0x1400  }
0x65: {  	_ =	swait.ge [sflag:s11], $0x1400  }
0x66: {  	[sflag:s11] =	ssyncset.done $0x0  }
0x67: {  	[sflag:s11] =	ssyncadd.s32 $0xFFFFEC00  }
0x68: {  	_ =	sfence.sel $0x180000  }
0x69: {  	[bflag:$0x0] =	sbarrier.arrive $0xFFFF  }
0x6a: {  	p0 =	sne.s32 s1, $0x0;
	_ =	strace $0x9000004D  }
0x6b: {  	s0 =	sadd.s32 @!p0 $0x100000, s0;
	[bflag:$0x2] =	sbarrier.arrive $0xFFFF  }
0x6c: {  	[sflag:s0] =	ssyncadd.tile.s32 @!p0 $0x1;
	_ =	shalt  }
.Lfunc_end2:
_tile_overlayer_lowered:
.L_overlay_start_2:
0x6d: {  	(tag) =	ssettag $0x2  }
0x6e: {  	s0 =	rddreg [dreg:$0x0];
	s2 =	stileid.u32  }
0x6f: {  	s1 =	rddreg [dreg:$0x1];
	p0 =	sne.s32 s2, $0x0  }
0x70: {  	s3 =	rddreg [dreg:$0x2];
	[bflag:$0x3] =	sbarrier.arrive $0xFFFF;
	s2 =	simm.s32 @!p0 $0x1C05  }
0x71: {  	[timem:s3], [sflag:s2] =	dma.local @!p0 [hbm:s0], s1  }
0x72: {  	s0 =	simm.s32 @!p0 $0x5  }
0x73: {  	_ =	swait.ge @!p0 [sflag:s0], s1  }
0x74: {  	s1 =	ssub.s32 @!p0 $0x0, s1;
	[sflag:s0] =	ssyncset.done @!p0 $0x0  }
0x75: {  	[sflag:s0] =	ssyncadd.s32 @!p0 s1  }
0x76: {  	[bflag:$0x3] =	sbarrier.arrive $0xFFFF  }
0x77: {  	_ =	shalt  }

// kernel: kernel.8.cloned.1.call-start
scs
__scs_entry_jumppad:
0x0: {  	(pc) =	sbr.rel $0x88, $3  }
0x1: {  	(tag) =	ssettag $0x0;
	lr =	simm.s32 $0x1  }
0x2: {  	[smem:$0x3F9B] =	sst lr;
	_ =	strace $0xD0000000  }
0x3: {  	_ = 	snop  }
0x4: {  	_ = 	snop  }
0x5: {  	_ = 	snop  }
0x6: {  	_ = 	snop  }
0x7: {  	_ = 	snop  }
__scs_overlays_trampoline_lowered:
0x8: {  	[smem:$0x3FAA] =	sst s0  }
0x9: {  	[smem:$0x3FAB] =	sst s1  }
0xa: {  	[smem:$0x3FAC] =	sst s2  }
0xb: {  	[smem:$0x3FAD] =	sst s3  }
0xc: {  	[smem:$0x3FAE] =	sst s4  }
0xd: {  	[smem:$0x3FAF] =	sst s5  }
0xe: {  	[smem:$0x3FB0] =	sst s6  }
0xf: {  	[smem:$0x3FB1] =	sst s7  }
0x10: {  	[smem:$0x3FB2] =	sst s8  }
0x11: {  	[smem:$0x3FB3] =	sst s9;
	s0 =	simm.s32 @!p0 $0x0  }
0x12: {  	s1 =	sld [smem:$0x3F99];
	s0 =	simm.s32 @p0 $0x1  }
0x13: {  	[smem:$0x3FB4] =	sst s0;
	s0 =	simm.s32 @!p1 $0x0  }
0x14: {  	s2 =	sld [smem:$0x3F98];
	s0 =	simm.s32 @p1 $0x1  }
0x15: {  	[smem:$0x3FB5] =	sst s0;
	s0 =	simm.s32 @!p2 $0x0  }
0x16: {  	s3 =	sld [smem:$0x3FDB];
	s0 =	simm.s32 @p2 $0x1  }
0x17: {  	s4 =	simm.s32 $0x1BF5;
	[smem:$0x3FB7] =	sst s0  }
0x18: {  	s0 =	sld [smem:$0x3F9A];
	_ =	swait.ge [sflag:s4], $0x0  }
0x19: {  	s7 =	sld [smem:$0x3F9B]  }
0x1a: {  	s8 =	sadd.s32 $0xFFFFE003, lr  }
0x1b: {  	s9 =	sadd.s32 $0xFFFFFEF7, lr;
	s5 =	simm.s32 $0xFFFFFFFF;
	p2 =	slt.u32 s8, $0xFFFFF086  }
0x1c: {  	p1 =	slt.u32 s9, $0xF7A;
	s5 =	simm.s32 @!p2 $0x0  }
0x1d: {  	s5 =	simm.s32 @p1 $0x1;
	p0 =	seq.s32 s7, s2  }
0x1e: {  	s7 =	smul.u32 @!p0 $0xF7A, s2;
	p2 =	seq.s32 @!p0 s5, $0x0  }
0x1f: {  	s9 =	smul.u32 $0xF7A, s1;
	s8 =	simm.s32 @!p0 $0x1BF5;
	p2 =	por !p2, p0  }
0x20: {  	[sflag:s8] =	ssyncset.s32 @!p0 $0xFFFFF086;
	s6 =	sadd.s32 @!p0 s3, s7;
	s7 =	simm.s32 @!p0 $0x108  }
0x21: {  	s3 =	sadd.s32 s3, s9;
	s6 =	sadd.s32 @!p0 $0x88, s6;
	s7 =	simm.s32 @p2 $0x1082  }
0x22: {  	[simem:s7], [sflag:s8] =	dma.local @!p0 [hbm:s6], $0xF7A  }
0x23: {  	s9 =	sor.u32 $0xD0000000, s2;
	s6 =	simm.s32 $0x108;
	_ =	swait.ge @!p0 [sflag:s8], $0x0  }
0x24: {  	s3 =	sadd.s32 $0x88, s3;
	s6 =	simm.s32 @!p1 $0x1082;
	[sflag:s4] =	ssyncset.s32 $0xFFFFF086  }
0x25: {  	[simem:s6], [sflag:s4] =	dma.local [hbm:s3], $0xF7A  }
0x26: {  	[smem:$0x3F9B] =	sst s1;
	(tag) =	ssettag s2;
	_ =	strace s9  }
0x27: {  	s1 =	sld [smem:$0x3FAB]  }
0x28: {  	s2 =	sld [smem:$0x3FAC]  }
0x29: {  	s4 =	sld [smem:$0x3FAE]  }
0x2a: {  	p0 =	seq.s32 s5, $0x0;
	s5 =	sld [smem:$0x3FAF]  }
0x2b: {  	s6 =	sld [smem:$0x3FB0]  }
0x2c: {  	s7 =	sld [smem:$0x3FB1]  }
0x2d: {  	s3 =	simm.s32 $0x108;
	s8 =	sld [smem:$0x3FB2]  }
0x2e: {  	s3 =	simm.s32 @!p0 $0x1082;
	s9 =	sld [smem:$0x3FB3]  }
0x2f: {  	lr =	sadd.s32 s0, s3;
	s0 =	sld [smem:$0x3FAA]  }
0x30: {  	s3 =	sld [smem:$0x3FAD]  }
0x31: {  	[smem:$0x3FB6] =	sst s10  }
0x32: {  	s10 =	sld [smem:$0x3FB4];
	_ =	sdelay $0x3  }
0x33: {  	p0 =	seq.s32 s10, $0x1;
	s10 =	sld [smem:$0x3FB6];
	_ =	sdelay $0x3  }
0x34: {  	[smem:$0x3FB6] =	sst s10  }
0x35: {  	s10 =	sld [smem:$0x3FB5];
	_ =	sdelay $0x3  }
0x36: {  	p1 =	seq.s32 s10, $0x1;
	s10 =	sld [smem:$0x3FB6];
	_ =	sdelay $0x3  }
0x37: {  	[smem:$0x3FB6] =	sst s10  }
0x38: {  	s10 =	sld [smem:$0x3FB7]  }
0x39: {  	_ = 	snop;
	(pc) =	sbr.ind lr, $3  }
0x3a: {  	_ = 	snop  }
0x3b: {  	_ = 	snop  }
0x3c: {  	p2 =	seq.s32 s10, $0x1;
	s10 =	sld [smem:$0x3FB6]  }
0x3d: {  	_ =	shalt  }
0x3e: {  	_ =	shalt  }
0x3f: {  	_ =	shalt  }
0x40: {  	_ =	shalt  }
0x41: {  	_ =	shalt  }
0x42: {  	_ =	shalt  }
0x43: {  	_ =	shalt  }
0x44: {  	_ =	shalt  }
0x45: {  	_ =	shalt  }
0x46: {  	_ =	shalt  }
0x47: {  	_ =	shalt  }
0x48: {  	_ =	shalt  }
0x49: {  	_ =	shalt  }
0x4a: {  	_ =	shalt  }
0x4b: {  	_ =	shalt  }
0x4c: {  	_ =	shalt  }
0x4d: {  	_ =	shalt  }
0x4e: {  	_ =	shalt  }
0x4f: {  	_ =	shalt  }
0x50: {  	_ =	shalt  }
0x51: {  	_ =	shalt  }
0x52: {  	_ =	shalt  }
0x53: {  	_ =	shalt  }
0x54: {  	_ =	shalt  }
0x55: {  	_ =	shalt  }
0x56: {  	_ =	shalt  }
0x57: {  	_ =	shalt  }
0x58: {  	_ =	shalt  }
0x59: {  	_ =	shalt  }
0x5a: {  	_ =	shalt  }
0x5b: {  	_ =	shalt  }
0x5c: {  	_ =	shalt  }
0x5d: {  	_ =	shalt  }
0x5e: {  	_ =	shalt  }
0x5f: {  	_ =	shalt  }
0x60: {  	_ =	shalt  }
0x61: {  	_ =	shalt  }
0x62: {  	_ =	shalt  }
0x63: {  	_ =	shalt  }
0x64: {  	_ =	shalt  }
0x65: {  	_ =	shalt  }
0x66: {  	_ =	shalt  }
0x67: {  	_ =	shalt  }
0x68: {  	_ =	shalt  }
0x69: {  	_ =	shalt  }
0x6a: {  	_ =	shalt  }
0x6b: {  	_ =	shalt  }
0x6c: {  	_ =	shalt  }
0x6d: {  	_ =	shalt  }
0x6e: {  	_ =	shalt  }
0x6f: {  	_ =	shalt  }
0x70: {  	_ =	shalt  }
0x71: {  	_ =	shalt  }
0x72: {  	_ =	shalt  }
0x73: {  	_ =	shalt  }
0x74: {  	_ =	shalt  }
0x75: {  	_ =	shalt  }
0x76: {  	_ =	shalt  }
0x77: {  	_ =	shalt  }
0x78: {  	_ =	shalt  }
0x79: {  	_ =	shalt  }
0x7a: {  	_ =	shalt  }
0x7b: {  	_ =	shalt  }
0x7c: {  	_ =	shalt  }
0x7d: {  	_ =	shalt  }
0x7e: {  	_ =	shalt  }
0x7f: {  	_ =	shalt  }
0x80: {  	_ =	shalt  }
0x81: {  	_ =	shalt  }
0x82: {  	_ =	shalt  }
0x83: {  	_ =	shalt  }
0x84: {  	_ =	shalt  }
0x85: {  	_ =	shalt  }
0x86: {  	_ =	shalt  }
0x87: {  	_ =	shalt  }
.Lfunc_end0:
.L_simem_size_0:
called_computation_lowered:
.L_overlay_start_0:
0x88: {  	s2 =	sld [smem:$0x3FD9]  }
0x89: {  	s3 =	sld [smem:$0x3FFE];
	_ =	sdelay $0x1  }
0x8a: {  	s1 =	srdreg.scid  }
0x8b: {  	s0 =	sand.u32 $0x1, s1  }
0x8c: {  	s14 =	sshll.u32 s0, $0xA;
	s2 =	sadd.s32 s3, s2  }
0x8d: {  	s2 =	sadd.s32 s2, s14  }
0x8e: {  	[smem:$0x3FC2] =	sst s2  }
0x8f: {  	_ = 	snop  }
0x90: {  	s2 =	sld [smem:$0x3FD0];
	_ =	sdelay $0x2  }
0x91: {  	s15 =	simm.s32 $0xA;
	s4 =	simm.s32 $0x10  }
0x92: {  	[smem:s4], [sflag:s15] =	dma.local [hbm:s2], $0x1  }
0x93: {  	_ =	swait.eq [sflag:s15], $0x1  }
0x94: {  	[sflag:s15] =	ssyncset.done $0x0  }
0x95: {  	s16 =	sld [smem:$0x10];
	[sflag:s15] =	ssyncadd.s32 $0xFFFFFFFF  }
0x96: {  	s17 =	sld [smem:$0x11];
	(tm) =	ssettm $0x1  }
0x97: {  	s18 =	sld [smem:$0x3FFB];
	_ =	sdelay $0x3  }
0x98: {  	_ =	strace s18  }
0x99: {  	s4 =	sld [smem:$0x3FFC];
	_ =	sdelay $0x3  }
0x9a: {  	_ =	strace s4  }
0x9b: {  	s4 =	sld [smem:$0x3FFD];
	_ =	sdelay $0x3  }
0x9c: {  	_ =	strace s4  }
0x9d: {  	_ =	strace $0x8FFFFFFF  }
0x9e: {  	s19 =	sld [smem:$0x3FDB];
	_ =	sdelay $0x1  }
0x9f: {  	s5 =	simm.s32 $_scs_section_size  }
0xa0: {  	s6 =	simm.s32 $_size__tile_overlayer_lowered;
	s7 =	simm.s32 $_tile_overlayer_lowered  }
0xa1: {  	s22 =	simm.s32 $0x1BFF;
	s21 =	sshll.u32 s7, $0x1;
	s4 =	sadd.s32 s5, s19  }
0xa2: {  	s8 =	simm.s32 $0x0;
	s20 =	sshll.u32 s6, $0x1;
	s6 =	sadd.s32 s21, s4  }
0xa3: {  	[timem:s8], [sflag:s22] =	dma.local [hbm:s6], s20  }
0xa4: {  	_ =	swait.ge [sflag:s22], s20  }
0xa5: {  	s5 =	ssub.s32 $0x0, s20;
	[sflag:s22] =	ssyncset.done $0x0  }
0xa6: {  	[sflag:s22] =	ssyncadd.s32 s5;
	_ =	sdelay $0x1  }
0xa7: {  	s23 =	simm.s32 $0x1B8B  }
0xa8: {  	_ =	swait.ge [sflag:s23], $0x1  }
0xa9: {  	[sflag:s23] =	ssyncset.done $0x0  }
0xaa: {  	s25 =	simm.s32 $0x1B8E;
	s24 =	sld [smem:$0x3FFE];
	[sflag:s23] =	ssyncadd.s32 $0xFFFFFFFF  }
0xab: {  	s26 =	simm.s32 $execute0_lowered;
	[smem:$0x3FD2] =	sst s25  }
0xac: {  	s6 =	sshll.u32 s26, $0x1;
	_ =	strace $0x80000046;
	[dreg:$0x1] =	wrdreg $0xFFFFFFFF  }
0xad: {  	s28 =	simm.s32 $_size_execute0_lowered;
	s4 =	sadd.s32 s4, s6;
	[dreg:$0x0] =	wrdreg $0x0  }
0xae: {  	s6 =	sshll.u32 s28, $0x1;
	[dreg:$0x2] =	wrdreg s4  }
0xaf: {  	[dreg:$0x3] =	wrdreg s6  }
0xb0: {  	[dreg:$0x4] =	wrdreg $0xC0  }
0xb1: {  	_ =	task [dreg:s8], $0x5FFFF  }
0xb2: {  	[dreg:$0x1] =	wrdreg $0xFFFFFFFF  }
0xb3: {  	[dreg:$0x0] =	wrdreg $0x60  }
0xb4: {  	[dreg:$0x2] =	wrdreg s17  }
0xb5: {  	[dreg:$0x3] =	wrdreg s16  }
0xb6: {  	[dreg:$0x4] =	wrdreg s24  }
0xb7: {  	[dreg:$0x5] =	wrdreg $0x120000  }
0xb8: {  	[dreg:$0x6] =	wrdreg $0x9  }
0xb9: {  	_ =	task.clear_ibuf [dreg:s8], $0x7FFFF;
	_ =	strace $0x90000046  }
0xba: {  	s29 =	simm.s32 $0x9;
	_ =	strace $0x80000048  }
0xbb: {  	_ =	swait.ge [sflag:s29], $0x1  }
0xbc: {  	[sflag:s29] =	ssyncadd.s32 $0xFFFFFFFF  }
0xbd: {  	_ =	strace $0x90000048  }
0xbe: {  	_ =	sfence  }
0xbf: {  	s30 =	sld [smem:$0x0];
	_ =	sdelay $0x2  }
0xc0: {  	s31 =	sshll.u32 s1, $0xD;
	s1 =	sshrl.u32 s1, $0x2  }
0xc1: {  	s3 =	sand.u32 $0x4000, s31;
	s1 =	sadd.s32 s1, s30  }
0xc2: {  	s0 =	sor.u32 s3, s0;
	s1 =	sshll.u32 s1, $0x11  }
0xc3: {  	s0 =	sor.u32 s1, s0  }
0xc4: {  	s0 =	sadd.s32 $0x8F2B, s0  }
0xc5: {  	[sflag:s0] =	ssyncadd.remote.s32 $0x1  }
0xc6: {  	_ =	sfence.sel $0xFFFF  }
0xc7: {  	[dreg:$0x0] =	wrdreg $0xFFFFFFFF;
	(pc) =	sbr.abs _section_cstart, $3  }
0xc8: {  	[dreg:$0x1] =	wrdreg $0xFFFFFFFF  }
0xc9: {  	_ =	task.clear_ibuf [dreg:s8], $0x2FFFF;
	_ =	strace $0x9FFFFFFF  }
0xca: {  	(tm) =	ssettm $0x7FFFFFFF  }
0xcb: {  	_ =	shalt  }
tec
execute0_lowered:
.L_overlay_start_1:
0x0: {  	(tag) =	ssettag $0x1  }
0x1: {  	s0 =	rddreg [dreg:$0x0]  }
0x2: {  	s7 =	rddreg [dreg:$0x1]  }
0x3: {  	s5 =	rddreg [dreg:$0x2];
	s1 =	srdreg.scid  }
0x4: {  	s3 =	rddreg [dreg:$0x3];
	s2 =	stileid.u32  }
0x5: {  	s4 =	simm.s32 $0x0;
	s15 =	simm.s32 $0xA000;
	s16 =	simm.s32 $0xE000  }
0x6: {  	s17 =	simm.s32 $0x1;
	s18 =	simm.s32 $0x3;
	s19 =	simm.s32 $0x100  }
0x7: {  	s20 =	simm.s32 $0x2;
	s21 =	simm.s32 $0x5080;
	s22 =	simm.s32 $0x4  }
0x8: {  	s23 =	simm.s32 $0x4F80;
	s24 =	simm.s32 $0x9F00;
	s9 =	smul.u32 $0xA000, s2  }
0x9: {  	s25 =	simm.s32 $0x9F80;
	s26 =	simm.s32 $0x0;
	s12 =	smul.u32 $0x1400, s2  }
0xa: {  	s6 =	sand.u32 $0x1, s1;
	s1 =	rddreg [dreg:$0x4];
	s30 =	smul.u32 $0xA00, s2  }
0xb: {  	[smem:$0x7FF] =	sst s4;
	s31 =	sshll.u32 s2, $0x6;
	s10 =	smul.u32 $0xA0000, s6  }
0xc: {  	s8 =	sshll.u32 s6, $0x4;
	s11 =	smul.u32 $0x14000, s6;
	s6 =	ssub.s32 $0x2, s6  }
0xd: {  	_ =	strace $0x80000047;
	s8 =	sor.u32 s2, s8;
	s28 =	sshrl.u32 s6, $0x1  }
0xe: {  	s14 =	sadd.s32 s9, s3;
	s7 =	sadd.s32 s7, s30;
	s8 =	smul.u32 $0xA00, s8  }
0xf: {  	s10 =	sadd.s32 s9, s10;
	s13 =	ssub.s32 s6, s28;
	s29 =	sadd.s32 s12, s11  }
0x10: {  	s11 =	simm.s32 $0x5;
	s12 =	sor.u32 $0x1C05, s31;
	s10 =	sshrl.u32 s10, $0x3  }
0x11: {  	s6 =	sadd.s32 s0, s29;
	s9 =	smax.u32 s13, $0x1;
	s13 =	sshrl.u32 s14, $0x3  }
0x12: {  	s14 =	simm.s32 $0x80;
	s8 =	sadd.s32 s8, s5;
	s10 =	sadd.s32 s10, s5  }
0x13: {  	s5 =	sadd.s32 $0x2400, s8;
	s8 =	sadd.s32 $0x16400, s10;
	s10 =	simm.s32 $0x5000  }
.LBB2_1:
0x14: {  	[tilespmem:s10], [sflag:$0x5] =	stream.linear.gather [hbm4b:s5+s4], $0x5000, $0x38;
	[tilespmem:$0x1C040] =	vst v63  }
0x15: {  	_ =	swait.ge [sflag:s11], $0x5000  }
0x16: {  	[sflag:s11] =	ssyncset.done $0x0  }
0x17: {  	[sflag:s11] =	ssyncadd.s32 $0xFFFFB000  }
0x18: {  	[spmem:s13], [sflag:s12] =	dma.local [hbm:s6], $0x1400  }
0x19: {  	_ =	swait.ge [sflag:s11], $0x1400  }
0x1a: {  	[sflag:s11] =	ssyncset.done $0x0  }
0x1b: {  	[sflag:s11] =	ssyncadd.s32 $0xFFFFEC00  }
0x1c: {  	[tilespmem:s4], [sflag:$0x5] =	stream.linear.gather [hbm4b:s7+s4], $0x5000, $0x38;
	[tilespmem:$0x1C040] =	vst v63  }
0x1d: {  	_ =	swait.ge [sflag:s11], $0x5000  }
0x1e: {  	[sflag:s11] =	ssyncset.done $0x0  }
0x1f: {  	[sflag:s11] =	ssyncadd.s32 $0xFFFFB000  }
0x20: {  	[bflag:$0x0] =	sbarrier.arrive $0xFFFF  }
0x21: {  	[tilespmem:s15], [sflag:$0x1] =	stream.indirect.gather [hbm4b:s0+s14], $0x80, s4, s14, $0xb8;
	[tilespmem:$0x1C040] =	vst v63  }
0x22: {  	_ = 	snop  }
0x23: {  	[tilespmem:s16], [sflag:$0x2] =	stream.indirect.gather [hbm4b:s0+s14], $0x80, s14, s14, $0xb8;
	[tilespmem:$0x1C040] =	vst v63  }
0x24: {  	_ =	swait.ge [sflag:s17], $0x4000  }
0x25: {  	[sflag:s17] =	ssyncset.done $0x0  }
0x26: {  	[sflag:s17] =	ssyncadd.s32 $0xFFFFC000  }
0x27: {  	[spmem:s3] =	stream.indirect.scatter.add.f32 [tilespmem:s15], [sflag:$0x3], $0x80, s10, s14, $0xb8;
	[tilespmem:$0x1C040] =	vst v63  }
0x28: {  	_ =	swait.ge [sflag:s18], $0x4000  }
0x29: {  	[sflag:s18] =	ssyncset.done $0x0  }
0x2a: {  	[sflag:s18] =	ssyncadd.s32 $0xFFFFC000  }
0x2b: {  	[tilespmem:s15], [sflag:$0x1] =	stream.indirect.gather [hbm4b:s0+s14], $0x80, s19, s14, $0xb8;
	[tilespmem:$0x1C040] =	vst v63  }
0x2c: {  	_ =	swait.ge [sflag:s20], $0x4000  }
0x2d: {  	[sflag:s20] =	ssyncset.done $0x0  }
0x2e: {  	[sflag:s20] =	ssyncadd.s32 $0xFFFFC000  }
0x2f: {  	[spmem:s3] =	stream.indirect.scatter.add.f32 [tilespmem:s16], [sflag:$0x4], $0x80, s21, s14, $0xb8;
	[tilespmem:$0x1C040] =	vst v63  }
0x30: {  	_ =	swait.ge [sflag:s22], $0x4000  }
0x31: {  	[sflag:s22] =	ssyncset.done $0x0  }
0x32: {  	s28 =	simm.s32 $0x180;
	[sflag:s22] =	ssyncadd.s32 $0xFFFFC000  }
0x33: {  	[tilespmem:s16], [sflag:$0x2] =	stream.indirect.gather [hbm4b:s0+s14], $0x80, s28, s14, $0xb8;
	[tilespmem:$0x1C040] =	vst v63  }
0x34: {  	_ =	swait.ge [sflag:s17], $0x4000  }
0x35: {  	[sflag:s17] =	ssyncset.done $0x0  }
0x36: {  	s28 =	simm.s32 $0x5100;
	[sflag:s17] =	ssyncadd.s32 $0xFFFFC000  }
0x37: {  	[spmem:s3] =	stream.indirect.scatter.add.f32 [tilespmem:s15], [sflag:$0x3], $0x80, s28, s14, $0xb8;
	[tilespmem:$0x1C040] =	vst v63  }
0x38: {  	_ =	swait.ge [sflag:s18], $0x4000  }
0x39: {  	[sflag:s18] =	ssyncset.done $0x0  }
0x3a: {  	s28 =	simm.s32 $0x200;
	[sflag:s18] =	ssyncadd.s32 $0xFFFFC000  }
0x3b: {  	[tilespmem:s15], [sflag:$0x1] =	stream.indirect.gather [hbm4b:s0+s14], $0x80, s28, s14, $0xb8;
	[tilespmem:$0x1C040] =	vst v63  }
0x3c: {  	_ =	swait.ge [sflag:s20], $0x4000  }
0x3d: {  	[sflag:s20] =	ssyncset.done $0x0  }
0x3e: {  	s29 =	simm.s32 $0x5180;
	s28 =	simm.s32 $0xFFFECC00;
	[sflag:s20] =	ssyncadd.s32 $0xFFFFC000  }
.LBB2_2:
0x3f: {  	[spmem:s3] =	stream.indirect.scatter.add.f32 [tilespmem:s16], [sflag:$0x4], $0x80, s29, s14, $0xb8;
	[tilespmem:$0x1C040] =	vst v63  }
0x40: {  	s29 =	smov.u32 s28  }
0x41: {  	p0 =	sne.s32 s28, $0xFFFFFC00;
	s28 =	sadd.s32 $0x400, s28;
	_ =	swait.ge [sflag:s22], $0x4000  }
0x42: {  	s29 =	sshra.s32 s29, $0x2;
	[sflag:s22] =	ssyncset.done $0x0  }
0x43: {  	s30 =	sadd.s32 $0x4F80, s29;
	[sflag:s22] =	ssyncadd.s32 $0xFFFFC000  }
0x44: {  	[tilespmem:s16], [sflag:$0x2] =	stream.indirect.gather [hbm4b:s0+s14], $0x80, s30, s14, $0xb8;
	[tilespmem:$0x1C040] =	vst v63  }
0x45: {  	_ =	swait.ge [sflag:s17], $0x4000  }
0x46: {  	[sflag:s17] =	ssyncset.done $0x0  }
0x47: {  	s30 =	sadd.s32 $0x9F00, s29;
	[sflag:s17] =	ssyncadd.s32 $0xFFFFC000  }
0x48: {  	[spmem:s3] =	stream.indirect.scatter.add.f32 [tilespmem:s15], [sflag:$0x3], $0x80, s30, s14, $0xb8;
	[tilespmem:$0x1C040] =	vst v63  }
0x49: {  	_ =	swait.ge [sflag:s18], $0x4000  }
0x4a: {  	[sflag:s18] =	ssyncset.done $0x0  }
.Ltmp0:
0x4b: {  	s30 =	sadd.s32 $0x5000, s29;
	[sflag:s18] =	ssyncadd.s32 $0xFFFFC000;
	(pc) =	sbr.rel @p0 .LBB2_2-.Ltmp0, $4  }
0x4c: {  	[tilespmem:s15], [sflag:$0x1] =	stream.indirect.gather [hbm4b:s0+s14], $0x80, s30, s14, $0xb8;
	[tilespmem:$0x1C040] =	vst v63  }
0x4d: {  	_ =	swait.ge [sflag:s20], $0x4000  }
0x4e: {  	[sflag:s20] =	ssyncset.done $0x0  }
0x4f: {  	s29 =	sadd.s32 $0x9F80, s29;
	[sflag:s20] =	ssyncadd.s32 $0xFFFFC000  }
0x50: {  	[spmem:s3] =	stream.indirect.scatter.add.f32 [tilespmem:s16], [sflag:$0x4], $0x80, s29, s14, $0xb8;
	[tilespmem:$0x1C040] =	vst v63  }
0x51: {  	_ =	swait.ge [sflag:s22], $0x4000  }
0x52: {  	[sflag:s22] =	ssyncset.done $0x0  }
0x53: {  	[sflag:s22] =	ssyncadd.s32 $0xFFFFC000  }
0x54: {  	[tilespmem:s16], [sflag:$0x2] =	stream.indirect.gather [hbm4b:s0+s14], $0x80, s23, s14, $0xb8;
	[tilespmem:$0x1C040] =	vst v63  }
0x55: {  	_ =	swait.ge [sflag:s17], $0x4000  }
0x56: {  	[sflag:s17] =	ssyncset.done $0x0  }
0x57: {  	[sflag:s17] =	ssyncadd.s32 $0xFFFFC000  }
0x58: {  	[spmem:s3] =	stream.indirect.scatter.add.f32 [tilespmem:s15], [sflag:$0x3], $0x80, s24, s14, $0xb8;
	[tilespmem:$0x1C040] =	vst v63  }
0x59: {  	_ =	swait.ge [sflag:s20], $0x4000  }
0x5a: {  	[sflag:s20] =	ssyncset.done $0x0  }
0x5b: {  	[sflag:s20] =	ssyncadd.s32 $0xFFFFC000  }
0x5c: {  	[spmem:s3] =	stream.indirect.scatter.add.f32 [tilespmem:s16], [sflag:$0x4], $0x80, s25, s14, $0xb8;
	[tilespmem:$0x1C040] =	vst v63  }
0x5d: {  	_ =	swait.ge [sflag:s18], $0x4000  }
0x5e: {  	[sflag:s18] =	ssyncset.done $0x0  }
0x5f: {  	[sflag:s18] =	ssyncadd.s32 $0xFFFFC000  }
0x60: {  	_ =	swait.ge [sflag:s22], $0x4000  }
0x61: {  	s26 =	sadd.s32 $0x1, s26;
	[sflag:s22] =	ssyncset.done $0x0  }
0x62: {  	p0 =	sne.s32 s26, s9;
	[sflag:s22] =	ssyncadd.s32 $0xFFFFC000  }
.Ltmp1:
0x63: {  	[bflag:$0x0] =	sbarrier.arrive $0xFFFF;
	(pc) =	sbr.rel @p0 .LBB2_1-.Ltmp1, $4  }
0x64: {  	[hbm:s8], [sflag:s12] =	dma.local [spmem:s13], $0x1400  }
0x65: {  	_ =	swait.ge [sflag:s11], $0x1400  }
0x66: {  	[sflag:s11] =	ssyncset.done $0x0  }
0x67: {  	[sflag:s11] =	ssyncadd.s32 $0xFFFFEC00  }
0x68: {  	_ =	sfence.sel $0x180000  }
0x69: {  	[bflag:$0x0] =	sbarrier.arrive $0xFFFF  }
0x6a: {  	p0 =	sne.s32 s2, $0x0;
	_ =	strace $0x90000047  }
0x6b: {  	s0 =	sadd.s32 @!p0 $0x100000, s1;
	[bflag:$0x2] =	sbarrier.arrive $0xFFFF  }
0x6c: {  	[sflag:s0] =	ssyncadd.tile.s32 @!p0 $0x1;
	_ =	shalt  }
.Lfunc_end2:
_tile_overlayer_lowered:
.L_overlay_start_2:
0x6d: {  	(tag) =	ssettag $0x2  }
0x6e: {  	s0 =	rddreg [dreg:$0x0];
	s2 =	stileid.u32  }
0x6f: {  	s1 =	rddreg [dreg:$0x1];
	p0 =	sne.s32 s2, $0x0  }
0x70: {  	s3 =	rddreg [dreg:$0x2];
	[bflag:$0x3] =	sbarrier.arrive $0xFFFF;
	s2 =	simm.s32 @!p0 $0x1C05  }
0x71: {  	[timem:s3], [sflag:s2] =	dma.local @!p0 [hbm:s0], s1  }
0x72: {  	s0 =	simm.s32 @!p0 $0x5  }
0x73: {  	_ =	swait.ge @!p0 [sflag:s0], s1  }
0x74: {  	s1 =	ssub.s32 @!p0 $0x0, s1;
	[sflag:s0] =	ssyncset.done @!p0 $0x0  }
0x75: {  	[sflag:s0] =	ssyncadd.s32 @!p0 s1  }
0x76: {  	[bflag:$0x3] =	sbarrier.arrive $0xFFFF  }
0x77: {  	_ =	shalt  }

</sc_bundles>
